<compile_context>
chip_gen: v7x
topology: tpu7x:2x2x1
jax: 0.10.2.dev20260603
libtpu: 0.0.44.dev20260713+nightly
codegen_flags: <defaults>
</compile_context>

<pallas_src>
import functools

import jax
import jax.numpy as jnp
from jax import lax
from jax.experimental import pallas as pl
from jax.experimental.pallas import tpu as pltpu
from jax.experimental.pallas import tpu_sc as plsc

B, S, D = 16, 2048, 768
W_MAX = 1024
NL = 9
LANES = 16
SC_LANES = 10
LH = SC_LANES // 2

NC, NS = 2, 16
CHUNK = 2048
ST = S // 128
WT = W_MAX // 128


def _probs_body(x_ref, w_ref, o_ref):
    x = x_ref[0]
    w = w_ref[...]
    lt = lax.dot_general(w, x, (((0,), (1,)), ((), ())),
                         preferred_element_type=jnp.float32,
                         precision=lax.Precision.DEFAULT)
    m = jnp.max(lt, axis=0, keepdims=True)
    e = jnp.exp(lt - m)
    p = e / jnp.sum(e, axis=0, keepdims=True)
    p4 = p.reshape(NL, ST, 128)
    o_ref[0, :NL] = p4
    o_ref[0, NL:SC_LANES] = jnp.ones((1, ST, 128), jnp.float32)


def _probs_call(x3, w_mlp):
    return pl.pallas_call(
        _probs_body,
        grid=(B * S // CHUNK,),
        in_specs=[
            pl.BlockSpec((1, CHUNK, D), lambda i: (i, 0, 0)),
            pl.BlockSpec((D, NL), lambda i: (0, 0)),
        ],
        out_specs=pl.BlockSpec((1, LANES, ST, 128), lambda i: (i, 0, 0, 0)),
        out_shape=jax.ShapeDtypeStruct((B, LANES, ST, 128), jnp.float32),
        compiler_params=pltpu.CompilerParams(
            dimension_semantics=("arbitrary",)),
    )(x3, w_mlp)


def _seg_body(probsT_hbm, wids_hbm, zeros_hbm, out_hbm, idx_v, pt_v, acc_v, sem):
    c = lax.axis_index("c")
    s = lax.axis_index("s")
    wid = c * NS + s
    b = wid // 2
    h = wid % 2

    cp1 = pltpu.async_copy(wids_hbm.at[b], idx_v, sem)
    cp2 = pltpu.async_copy(probsT_hbm.at[b, pl.ds(h * LH, LH)], pt_v, sem)
    cp3 = pltpu.async_copy(zeros_hbm, acc_v, sem)
    cp1.wait()
    cp2.wait()
    cp3.wait()

    def chunk(j, carry):
        for k in range(8):
            iw = idx_v[j, pl.ds(k * 16, 16)]
            iw_hi = lax.shift_right_logical(iw, 7)
            iw_lo = lax.bitwise_and(iw, 127)
            for l in range(LH):
                vals = pt_v[l, j, pl.ds(k * 16, 16)]
                plsc.addupdate_scatter(
                    acc_v, [jnp.full((16,), l, jnp.int32), iw_hi, iw_lo],
                    vals)
        return carry
    lax.fori_loop(0, ST, chunk, 0)

    pltpu.sync_copy(acc_v, out_hbm.at[b, pl.ds(h * LH, LH)])


@functools.cache
def _seg_call():
    return pl.kernel(
        _seg_body,
        out_type=jax.ShapeDtypeStruct((B, SC_LANES, WT, 128), jnp.float32),
        mesh=plsc.VectorSubcoreMesh(core_axis_name="c", subcore_axis_name="s",
                                    num_cores=NC, num_subcores=NS),
        compiler_params=pltpu.CompilerParams(needs_layout_passes=False,
                                             use_tc_tiling_on_sc=False),
        scratch_types=[
            pltpu.VMEM((ST, 128), jnp.int32),
            pltpu.VMEM((LH, ST, 128), jnp.float32),
            pltpu.VMEM((LH, WT, 128), jnp.float32),
            pltpu.SemaphoreType.DMA,
        ],
    )


def _final_body(sums_ref, labels_ref, la_ref, loss_ref):
    sums = sums_ref[...]
    lane = lax.broadcasted_iota(jnp.int32, sums.shape, 1)
    cnt = sums[:, NL:SC_LANES]
    avg = sums / jnp.maximum(cnt, 1.0)
    la_ref[...] = avg[:, :NL]
    valid = lane < NL
    e = jnp.where(valid, jnp.exp(avg), 0.0)
    lse = jnp.log(jnp.sum(e, axis=1))
    lab = labels_ref[...][:, None]
    picked = jnp.sum(jnp.where(lane == lab, avg, 0.0), axis=1)
    loss_ref[0, 0] = jnp.sum(lse - picked) / float(B * W_MAX)


def _final_call(sums4, labels3):
    return pl.pallas_call(
        _final_body,
        in_specs=[
            pl.BlockSpec((B, SC_LANES, WT, 128), lambda: (0, 0, 0, 0)),
            pl.BlockSpec((B, WT, 128), lambda: (0, 0, 0)),
        ],
        out_specs=[
            pl.BlockSpec((B, NL, WT, 128), lambda: (0, 0, 0, 0)),
            pl.BlockSpec(memory_space=pltpu.SMEM),
        ],
        out_shape=[
            jax.ShapeDtypeStruct((B, NL, WT, 128), jnp.float32),
            jax.ShapeDtypeStruct((1, 1), jnp.float32),
        ],
    )(sums4, labels3)


def kernel(sent_logits, word_ids, labels, W_mlp):
    probs_t = _probs_call(sent_logits, W_mlp)
    zeros = jnp.zeros((LH, WT, 128), jnp.float32)
    sums = _seg_call()(probs_t, word_ids.reshape(B, ST, 128),
                       zeros)
    la4, loss = _final_call(sums, labels.reshape(B, WT, 128))
    la = la4.reshape(B, NL, W_MAX)
    return jnp.swapaxes(la, 1, 2), loss.reshape(())

# --- scband reference (transcript-rebuilt; emitter-appended) ---
"""Pipeline reference for scband-probing-classifier-16595753632140 (READ-ONLY COPY).

The authoritative reference and input builder live on the scoring server;
editing this copy changes nothing except your own understanding.
"""

import jax, jax.numpy as jnp
import numpy as np

B, S, D = 16, 2048, 768
W_MAX = 1024
NUM_LABELS = 9


def setup_inputs(seed: int = 0) -> dict:
    key = jax.random.key(seed)
    k1, k2, k3, k4 = jax.random.split(key, 4)
    sent_logits = jax.random.normal(k1, (B, S, D), dtype=jnp.float32)
    # word_ids: for each token, the index of the word it belongs to (monotone
    # non-decreasing within a sentence). This replaces the BertTokenizer
    # '##' subword detection in the original code with precomputed segment ids.
    word_ids = jnp.sort(jax.random.randint(k2, (B, S), 0, W_MAX, dtype=jnp.int32), axis=-1)
    labels = jax.random.randint(k3, (B, W_MAX), 0, NUM_LABELS, dtype=jnp.int32)
    W_mlp = jax.random.normal(k4, (D, NUM_LABELS), dtype=jnp.float32) * 0.02
    return {"sent_logits": sent_logits, "word_ids": word_ids, "labels": labels, "W_mlp": W_mlp}


def reference(sent_logits, word_ids, labels, W_mlp):
    b, s, d = sent_logits.shape
    n_labels = W_mlp.shape[1]
    w_max = labels.shape[1]
    # logits = self.mlp(sent_logits)  (bias=False linear)
    logits = jnp.einsum('bsd,dl->bsl', sent_logits, W_mlp)
    # align_pred_to_word: softmax over label dim, then average subword-piece
    # probabilities within each word (segment-mean over word_ids)
    probs = jax.nn.softmax(logits, axis=-1)
    seg = (word_ids + jnp.arange(b, dtype=jnp.int32)[:, None] * w_max).reshape(-1)
    flat_probs = probs.reshape(b * s, n_labels)
    sums = jax.ops.segment_sum(flat_probs, seg, num_segments=b * w_max)
    counts = jax.ops.segment_sum(jnp.ones((b * s,), dtype=jnp.float32), seg, num_segments=b * w_max)
    avg = sums / jnp.maximum(counts, 1.0)[:, None]
    logits_aligned = avg.reshape(b, w_max, n_labels)
    # flatten batch*words and apply cross-entropy against flat labels
    pred_label_logits = logits_aligned.reshape(b * w_max, n_labels)
    flat_trgt_labels = labels.reshape(-1)
    logp = jax.nn.log_softmax(pred_label_logits, axis=-1)
    nll = -jnp.take_along_axis(logp, flat_trgt_labels[:, None].astype(jnp.int32), axis=1)[:, 0]
    loss = jnp.mean(nll)
    return logits_aligned, loss


if False:  # reference __main__ guard neutralized (emitter)
    out = reference(**setup_inputs())
    print(out[0].shape, out[1])

if __name__ == "__main__":
    import jax
    _d = setup_inputs()
    print(jax.jit(kernel)(*tuple(_d.values())))

</pallas_src>

<mosaic_0001>
#map = affine_map<(d0, d1) -> (0, 0, 0, 0)>
#map1 = affine_map<(d0, d1) -> (0, 0, 0)>
module attributes {stable_mosaic.version = 14 : i64} {
  func.func @_seg_body(%arg0: i32, %arg1: i32, %arg2: memref<16x16x16x128xf32, #tpu.memory_space<hbm>>, %arg3: memref<16x16x128xi32, #tpu.memory_space<hbm>>, %arg4: memref<5x8x128xf32, #tpu.memory_space<hbm>>, %arg5: memref<16x10x8x128xf32, #tpu.memory_space<hbm>>, %arg6: memref<16x128xi32, #tpu.memory_space<vmem>>, %arg7: memref<5x16x128xf32, #tpu.memory_space<vmem>>, %arg8: memref<5x8x128xf32, #tpu.memory_space<vmem>>, %arg9: memref<!tpu.dma_semaphore, #tpu.memory_space<semaphore_mem>>) attributes {dimension_semantics = [#tpu.dimension_semantics<core_parallel>, #tpu.dimension_semantics<subcore_parallel>], iteration_bounds = array<i64: 2, 16>, scalar_prefetch = 0 : i64, scratch_operands = 4 : i64, tpu.core_type = #tpu.core_type<sc_vector_subcore>, window_params = [{transform_indices = #map}, {transform_indices = #map1}, {transform_indices = #map1}, {transform_indices = #map}]} {
    %mul3A = arith.constant 16 : i32
    %mul3A_0 = arith.muli %arg0, %mul3A : i32
    %add3A = arith.addi %mul3A_0, %arg1 : i32
    %jit3A = arith.constant 2 : i32
    %div3A = arith.divsi %add3A, %jit3A : i32
    %sign3A = arith.constant 0 : i32
    %sign3A_1 = arith.cmpi sgt, %add3A, %sign3A : i32
    %sign3A_2 = arith.extui %sign3A_1 : i1 to i32
    %sign3A_3 = arith.constant 0 : i32
    %sign3A_4 = arith.cmpi slt, %add3A, %sign3A_3 : i32
    %sign3A_5 = arith.extui %sign3A_4 : i1 to i32
    %sign3A_6 = arith.subi %sign3A_2, %sign3A_5 : i32
    %sign3A_7 = arith.constant 0 : i32
    %sign3A_8 = arith.cmpi sgt, %jit3A, %sign3A_7 : i32
    %sign3A_9 = arith.extui %sign3A_8 : i1 to i32
    %sign3A_10 = arith.constant 0 : i32
    %sign3A_11 = arith.cmpi slt, %jit3A, %sign3A_10 : i32
    %sign3A_12 = arith.extui %sign3A_11 : i1 to i32
    %sign3A_13 = arith.subi %sign3A_9, %sign3A_12 : i32
    %ne3A = arith.cmpi ne, %sign3A_6, %sign3A_13 : i32
    %rem3A = arith.remsi %add3A, %jit3A : i32
    %ne3A_14 = arith.constant 0 : i32
    %ne3A_15 = arith.cmpi ne, %rem3A, %ne3A_14 : i32
    %and3A = arith.andi %ne3A, %ne3A_15 : i1
    %sub3A = arith.constant 1 : i32
    %sub3A_16 = arith.subi %div3A, %sub3A : i32
    %select_n3A = arith.select %and3A, %sub3A_16, %div3A : i32
    %jit3A_17 = arith.constant 2 : i32
    %eq3A = arith.constant 0 : i32
    %eq3A_18 = arith.cmpi eq, %jit3A_17, %eq3A : i32
    %jit3A_19 = arith.constant 1 : i32
    %select_n3A_20 = arith.select %eq3A_18, %jit3A_19, %jit3A_17 : i32
    %rem3A_21 = arith.remsi %add3A, %select_n3A_20 : i32
    %ne3A_22 = arith.constant 0 : i32
    %ne3A_23 = arith.cmpi ne, %rem3A_21, %ne3A_22 : i32
    %lt3A = arith.constant 0 : i32
    %lt3A_24 = arith.cmpi slt, %rem3A_21, %lt3A : i32
    %lt3A_25 = arith.constant 0 : i32
    %lt3A_26 = arith.cmpi slt, %select_n3A_20, %lt3A_25 : i32
    %ne3A_27 = arith.xori %lt3A_24, %lt3A_26 : i1
    %and3A_28 = arith.andi %ne3A_27, %ne3A_23 : i1
    %add3A_29 = arith.addi %rem3A_21, %select_n3A_20 : i32
    %select_n3A_30 = arith.select %and3A_28, %add3A_29, %rem3A_21 : i32
    %dma_start3A = arith.constant 0 : i32
    %dma_start3A_31 = arith.constant 0 : i32
    %dma_start3A_32 = tpu.memref_slice %arg3[%select_n3A, %dma_start3A, %dma_start3A_31] : memref<16x16x128xi32, #tpu.memory_space<hbm>> -> memref<1x16x128xi32, #tpu.memory_space<hbm>>
    %dma_start3A_33 = tpu.memref_squeeze %dma_start3A_32 : memref<1x16x128xi32, #tpu.memory_space<hbm>> -> memref<16x128xi32, #tpu.memory_space<hbm>>
    %dma_start3A_34 = arith.constant 0 : i32
    %dma_start3A_35 = arith.constant 0 : i32
    %dma_start3A_36 = tpu.memref_slice %arg3[%select_n3A, %dma_start3A_34, %dma_start3A_35] : memref<16x16x128xi32, #tpu.memory_space<hbm>> -> memref<1x16x128xi32, #tpu.memory_space<hbm>>
    %dma_start3A_37 = tpu.memref_squeeze %dma_start3A_36 : memref<1x16x128xi32, #tpu.memory_space<hbm>> -> memref<16x128xi32, #tpu.memory_space<hbm>>
    tpu.enqueue_dma source(%dma_start3A_37 : memref<16x128xi32, #tpu.memory_space<hbm>>) target(%arg6 : memref<16x128xi32, #tpu.memory_space<vmem>>) target_semaphore(%arg9 : memref<!tpu.dma_semaphore, #tpu.memory_space<semaphore_mem>>)
    %mul3A_38 = arith.constant 5 : i32
    %mul3A_39 = arith.muli %select_n3A_30, %mul3A_38 : i32
    %dma_start3A_40 = arith.constant 0 : i32
    %dma_start3A_41 = arith.constant 0 : i32
    %dma_start3A_42 = tpu.memref_slice %arg2[%select_n3A, %mul3A_39, %dma_start3A_40, %dma_start3A_41] : memref<16x16x16x128xf32, #tpu.memory_space<hbm>> -> memref<1x5x16x128xf32, #tpu.memory_space<hbm>>
    %dma_start3A_43 = tpu.memref_squeeze %dma_start3A_42 : memref<1x5x16x128xf32, #tpu.memory_space<hbm>> -> memref<5x16x128xf32, #tpu.memory_space<hbm>>
    %dma_start3A_44 = arith.constant 0 : i32
    %dma_start3A_45 = arith.constant 0 : i32
    %dma_start3A_46 = tpu.memref_slice %arg2[%select_n3A, %mul3A_39, %dma_start3A_44, %dma_start3A_45] : memref<16x16x16x128xf32, #tpu.memory_space<hbm>> -> memref<1x5x16x128xf32, #tpu.memory_space<hbm>>
    %dma_start3A_47 = tpu.memref_squeeze %dma_start3A_46 : memref<1x5x16x128xf32, #tpu.memory_space<hbm>> -> memref<5x16x128xf32, #tpu.memory_space<hbm>>
    tpu.enqueue_dma source(%dma_start3A_47 : memref<5x16x128xf32, #tpu.memory_space<hbm>>) target(%arg7 : memref<5x16x128xf32, #tpu.memory_space<vmem>>) target_semaphore(%arg9 : memref<!tpu.dma_semaphore, #tpu.memory_space<semaphore_mem>>)
    tpu.enqueue_dma source(%arg4 : memref<5x8x128xf32, #tpu.memory_space<hbm>>) target(%arg8 : memref<5x8x128xf32, #tpu.memory_space<vmem>>) target_semaphore(%arg9 : memref<!tpu.dma_semaphore, #tpu.memory_space<semaphore_mem>>)
    %dma_wait3A = arith.constant 0 : i32
    %dma_wait3A_48 = arith.constant 0 : i32
    %dma_wait3A_49 = tpu.memref_slice %arg3[%select_n3A, %dma_wait3A, %dma_wait3A_48] : memref<16x16x128xi32, #tpu.memory_space<hbm>> -> memref<1x16x128xi32, #tpu.memory_space<hbm>>
    %dma_wait3A_50 = tpu.memref_squeeze %dma_wait3A_49 : memref<1x16x128xi32, #tpu.memory_space<hbm>> -> memref<16x128xi32, #tpu.memory_space<hbm>>
    %dma_wait3A_51 = arith.constant 0 : i32
    %dma_wait3A_52 = arith.constant 0 : i32
    %dma_wait3A_53 = tpu.memref_slice %arg3[%select_n3A, %dma_wait3A_51, %dma_wait3A_52] : memref<16x16x128xi32, #tpu.memory_space<hbm>> -> memref<1x16x128xi32, #tpu.memory_space<hbm>>
    %dma_wait3A_54 = tpu.memref_squeeze %dma_wait3A_53 : memref<1x16x128xi32, #tpu.memory_space<hbm>> -> memref<16x128xi32, #tpu.memory_space<hbm>>
    tpu.wait_dma2 semaphore(%arg9 : memref<!tpu.dma_semaphore, #tpu.memory_space<semaphore_mem>>) src(%dma_wait3A_54 : memref<16x128xi32, #tpu.memory_space<hbm>>) dst(%arg6 : memref<16x128xi32, #tpu.memory_space<vmem>>)
    %dma_wait3A_55 = arith.constant 0 : i32
    %dma_wait3A_56 = arith.constant 0 : i32
    %dma_wait3A_57 = tpu.memref_slice %arg2[%select_n3A, %mul3A_39, %dma_wait3A_55, %dma_wait3A_56] : memref<16x16x16x128xf32, #tpu.memory_space<hbm>> -> memref<1x5x16x128xf32, #tpu.memory_space<hbm>>
    %dma_wait3A_58 = tpu.memref_squeeze %dma_wait3A_57 : memref<1x5x16x128xf32, #tpu.memory_space<hbm>> -> memref<5x16x128xf32, #tpu.memory_space<hbm>>
    %dma_wait3A_59 = arith.constant 0 : i32
    %dma_wait3A_60 = arith.constant 0 : i32
    %dma_wait3A_61 = tpu.memref_slice %arg2[%select_n3A, %mul3A_39, %dma_wait3A_59, %dma_wait3A_60] : memref<16x16x16x128xf32, #tpu.memory_space<hbm>> -> memref<1x5x16x128xf32, #tpu.memory_space<hbm>>
    %dma_wait3A_62 = tpu.memref_squeeze %dma_wait3A_61 : memref<1x5x16x128xf32, #tpu.memory_space<hbm>> -> memref<5x16x128xf32, #tpu.memory_space<hbm>>
    tpu.wait_dma2 semaphore(%arg9 : memref<!tpu.dma_semaphore, #tpu.memory_space<semaphore_mem>>) src(%dma_wait3A_62 : memref<5x16x128xf32, #tpu.memory_space<hbm>>) dst(%arg7 : memref<5x16x128xf32, #tpu.memory_space<vmem>>)
    tpu.wait_dma2 semaphore(%arg9 : memref<!tpu.dma_semaphore, #tpu.memory_space<semaphore_mem>>) src(%arg4 : memref<5x8x128xf32, #tpu.memory_space<hbm>>) dst(%arg8 : memref<5x8x128xf32, #tpu.memory_space<vmem>>)
    %scan3A = arith.constant 0 : i32
    %scan3A_63 = arith.constant 0 : i32
    %scan3A_64 = arith.constant 16 : i32
    %scan3A_65 = arith.addi %scan3A_63, %scan3A_64 : i32
    %scan3A_66 = arith.constant 1 : i32
    scf.for %scan3A_70 = %scan3A_63 to %scan3A_65 step %scan3A_66  : i32 {
      %get3A = arith.index_cast %scan3A_70 : i32 to index
      %get3A_71 = arith.constant 0 : index
      %get3A_72 = tpu.vector_load %arg6[%get3A, %get3A_71] {strides = array<i32>} : memref<16x128xi32, #tpu.memory_space<vmem>>, vector<16xi32>,
      %shift_right_logical3A = arith.constant 7 : i32
      %shift_right_logical3A_73 = vector.broadcast %shift_right_logical3A : i32 to vector<16xi32>
      %shift_right_logical3A_74 = arith.shrui %get3A_72, %shift_right_logical3A_73 : vector<16xi32>
      %and3A_75 = arith.constant 127 : i32
      %and3A_76 = vector.broadcast %and3A_75 : i32 to vector<16xi32>
      %and3A_77 = arith.andi %get3A_72, %and3A_76 : vector<16xi32>
      %get3A_78 = arith.constant 0 : i32
      %get3A_79 = arith.index_cast %get3A_78 : i32 to index
      %get3A_80 = arith.index_cast %scan3A_70 : i32 to index
      %get3A_81 = arith.constant 0 : index
      %get3A_82 = tpu.vector_load %arg7[%get3A_79, %get3A_80, %get3A_81] {strides = array<i32>} : memref<5x16x128xf32, #tpu.memory_space<vmem>>, vector<16xf32>,
      %broadcast_in_dim3A = arith.constant 0 : i32
      %broadcast_in_dim3A_83 = vector.broadcast %broadcast_in_dim3A : i32 to vector<16xi32>
      tpu.vector_store_idx %arg8[%broadcast_in_dim3A_83, %shift_right_logical3A_74, %and3A_77], %get3A_82 {add = true} : memref<5x8x128xf32, #tpu.memory_space<vmem>>[vector<16xi32>, vector<16xi32>, vector<16xi32>], vector<16xf32>,
      %get3A_84 = arith.constant 1 : i32
      %get3A_85 = arith.index_cast %get3A_84 : i32 to index
      %get3A_86 = arith.index_cast %scan3A_70 : i32 to index
      %get3A_87 = arith.constant 0 : index
      %get3A_88 = tpu.vector_load %arg7[%get3A_85, %get3A_86, %get3A_87] {strides = array<i32>} : memref<5x16x128xf32, #tpu.memory_space<vmem>>, vector<16xf32>,
      %broadcast_in_dim3A_89 = arith.constant 1 : i32
      %broadcast_in_dim3A_90 = vector.broadcast %broadcast_in_dim3A_89 : i32 to vector<16xi32>
      tpu.vector_store_idx %arg8[%broadcast_in_dim3A_90, %shift_right_logical3A_74, %and3A_77], %get3A_88 {add = true} : memref<5x8x128xf32, #tpu.memory_space<vmem>>[vector<16xi32>, vector<16xi32>, vector<16xi32>], vector<16xf32>,
      %get3A_91 = arith.constant 2 : i32
      %get3A_92 = arith.index_cast %get3A_91 : i32 to index
      %get3A_93 = arith.index_cast %scan3A_70 : i32 to index
      %get3A_94 = arith.constant 0 : index
      %get3A_95 = tpu.vector_load %arg7[%get3A_92, %get3A_93, %get3A_94] {strides = array<i32>} : memref<5x16x128xf32, #tpu.memory_space<vmem>>, vector<16xf32>,
      %broadcast_in_dim3A_96 = arith.constant 2 : i32
      %broadcast_in_dim3A_97 = vector.broadcast %broadcast_in_dim3A_96 : i32 to vector<16xi32>
      tpu.vector_store_idx %arg8[%broadcast_in_dim3A_97, %shift_right_logical3A_74, %and3A_77], %get3A_95 {add = true} : memref<5x8x128xf32, #tpu.memory_space<vmem>>[vector<16xi32>, vector<16xi32>, vector<16xi32>], vector<16xf32>,
      %get3A_98 = arith.constant 3 : i32
      %get3A_99 = arith.index_cast %get3A_98 : i32 to index
      %get3A_100 = arith.index_cast %scan3A_70 : i32 to index
      %get3A_101 = arith.constant 0 : index
      %get3A_102 = tpu.vector_load %arg7[%get3A_99, %get3A_100, %get3A_101] {strides = array<i32>} : memref<5x16x128xf32, #tpu.memory_space<vmem>>, vector<16xf32>,
      %broadcast_in_dim3A_103 = arith.constant 3 : i32
      %broadcast_in_dim3A_104 = vector.broadcast %broadcast_in_dim3A_103 : i32 to vector<16xi32>
      tpu.vector_store_idx %arg8[%broadcast_in_dim3A_104, %shift_right_logical3A_74, %and3A_77], %get3A_102 {add = true} : memref<5x8x128xf32, #tpu.memory_space<vmem>>[vector<16xi32>, vector<16xi32>, vector<16xi32>], vector<16xf32>,
      %get3A_105 = arith.constant 4 : i32
      %get3A_106 = arith.index_cast %get3A_105 : i32 to index
      %get3A_107 = arith.index_cast %scan3A_70 : i32 to index
      %get3A_108 = arith.constant 0 : index
      %get3A_109 = tpu.vector_load %arg7[%get3A_106, %get3A_107, %get3A_108] {strides = array<i32>} : memref<5x16x128xf32, #tpu.memory_space<vmem>>, vector<16xf32>,
      %broadcast_in_dim3A_110 = arith.constant 4 : i32
      %broadcast_in_dim3A_111 = vector.broadcast %broadcast_in_dim3A_110 : i32 to vector<16xi32>
      tpu.vector_store_idx %arg8[%broadcast_in_dim3A_111, %shift_right_logical3A_74, %and3A_77], %get3A_109 {add = true} : memref<5x8x128xf32, #tpu.memory_space<vmem>>[vector<16xi32>, vector<16xi32>, vector<16xi32>], vector<16xf32>,
      %get3A_112 = arith.index_cast %scan3A_70 : i32 to index
      %get3A_113 = arith.constant 16 : index
      %get3A_114 = tpu.vector_load %arg6[%get3A_112, %get3A_113] {strides = array<i32>} : memref<16x128xi32, #tpu.memory_space<vmem>>, vector<16xi32>,
      %shift_right_logical3A_115 = arith.constant 7 : i32
      %shift_right_logical3A_116 = vector.broadcast %shift_right_logical3A_115 : i32 to vector<16xi32>
      %shift_right_logical3A_117 = arith.shrui %get3A_114, %shift_right_logical3A_116 : vector<16xi32>
      %and3A_118 = arith.constant 127 : i32
      %and3A_119 = vector.broadcast %and3A_118 : i32 to vector<16xi32>
      %and3A_120 = arith.andi %get3A_114, %and3A_119 : vector<16xi32>
      %get3A_121 = arith.constant 0 : i32
      %get3A_122 = arith.index_cast %get3A_121 : i32 to index
      %get3A_123 = arith.index_cast %scan3A_70 : i32 to index
      %get3A_124 = arith.constant 16 : index
      %get3A_125 = tpu.vector_load %arg7[%get3A_122, %get3A_123, %get3A_124] {strides = array<i32>} : memref<5x16x128xf32, #tpu.memory_space<vmem>>, vector<16xf32>,
      %broadcast_in_dim3A_126 = arith.constant 0 : i32
      %broadcast_in_dim3A_127 = vector.broadcast %broadcast_in_dim3A_126 : i32 to vector<16xi32>
      tpu.vector_store_idx %arg8[%broadcast_in_dim3A_127, %shift_right_logical3A_117, %and3A_120], %get3A_125 {add = true} : memref<5x8x128xf32, #tpu.memory_space<vmem>>[vector<16xi32>, vector<16xi32>, vector<16xi32>], vector<16xf32>,
      %get3A_128 = arith.constant 1 : i32
      %get3A_129 = arith.index_cast %get3A_128 : i32 to index
      %get3A_130 = arith.index_cast %scan3A_70 : i32 to index
      %get3A_131 = arith.constant 16 : index
      %get3A_132 = tpu.vector_load %arg7[%get3A_129, %get3A_130, %get3A_131] {strides = array<i32>} : memref<5x16x128xf32, #tpu.memory_space<vmem>>, vector<16xf32>,
      %broadcast_in_dim3A_133 = arith.constant 1 : i32
      %broadcast_in_dim3A_134 = vector.broadcast %broadcast_in_dim3A_133 : i32 to vector<16xi32>
      tpu.vector_store_idx %arg8[%broadcast_in_dim3A_134, %shift_right_logical3A_117, %and3A_120], %get3A_132 {add = true} : memref<5x8x128xf32, #tpu.memory_space<vmem>>[vector<16xi32>, vector<16xi32>, vector<16xi32>], vector<16xf32>,
      %get3A_135 = arith.constant 2 : i32
      %get3A_136 = arith.index_cast %get3A_135 : i32 to index
      %get3A_137 = arith.index_cast %scan3A_70 : i32 to index
      %get3A_138 = arith.constant 16 : index
      %get3A_139 = tpu.vector_load %arg7[%get3A_136, %get3A_137, %get3A_138] {strides = array<i32>} : memref<5x16x128xf32, #tpu.memory_space<vmem>>, vector<16xf32>,
      %broadcast_in_dim3A_140 = arith.constant 2 : i32
      %broadcast_in_dim3A_141 = vector.broadcast %broadcast_in_dim3A_140 : i32 to vector<16xi32>
      tpu.vector_store_idx %arg8[%broadcast_in_dim3A_141, %shift_right_logical3A_117, %and3A_120], %get3A_139 {add = true} : memref<5x8x128xf32, #tpu.memory_space<vmem>>[vector<16xi32>, vector<16xi32>, vector<16xi32>], vector<16xf32>,
      %get3A_142 = arith.constant 3 : i32
      %get3A_143 = arith.index_cast %get3A_142 : i32 to index
      %get3A_144 = arith.index_cast %scan3A_70 : i32 to index
      %get3A_145 = arith.constant 16 : index
      %get3A_146 = tpu.vector_load %arg7[%get3A_143, %get3A_144, %get3A_145] {strides = array<i32>} : memref<5x16x128xf32, #tpu.memory_space<vmem>>, vector<16xf32>,
      %broadcast_in_dim3A_147 = arith.constant 3 : i32
      %broadcast_in_dim3A_148 = vector.broadcast %broadcast_in_dim3A_147 : i32 to vector<16xi32>
      tpu.vector_store_idx %arg8[%broadcast_in_dim3A_148, %shift_right_logical3A_117, %and3A_120], %get3A_146 {add = true} : memref<5x8x128xf32, #tpu.memory_space<vmem>>[vector<16xi32>, vector<16xi32>, vector<16xi32>], vector<16xf32>,
      %get3A_149 = arith.constant 4 : i32
      %get3A_150 = arith.index_cast %get3A_149 : i32 to index
      %get3A_151 = arith.index_cast %scan3A_70 : i32 to index
      %get3A_152 = arith.constant 16 : index
      %get3A_153 = tpu.vector_load %arg7[%get3A_150, %get3A_151, %get3A_152] {strides = array<i32>} : memref<5x16x128xf32, #tpu.memory_space<vmem>>, vector<16xf32>,
      %broadcast_in_dim3A_154 = arith.constant 4 : i32
      %broadcast_in_dim3A_155 = vector.broadcast %broadcast_in_dim3A_154 : i32 to vector<16xi32>
      tpu.vector_store_idx %arg8[%broadcast_in_dim3A_155, %shift_right_logical3A_117, %and3A_120], %get3A_153 {add = true} : memref<5x8x128xf32, #tpu.memory_space<vmem>>[vector<16xi32>, vector<16xi32>, vector<16xi32>], vector<16xf32>,
      %get3A_156 = arith.index_cast %scan3A_70 : i32 to index
      %get3A_157 = arith.constant 32 : index
      %get3A_158 = tpu.vector_load %arg6[%get3A_156, %get3A_157] {strides = array<i32>} : memref<16x128xi32, #tpu.memory_space<vmem>>, vector<16xi32>,
      %shift_right_logical3A_159 = arith.constant 7 : i32
      %shift_right_logical3A_160 = vector.broadcast %shift_right_logical3A_159 : i32 to vector<16xi32>
      %shift_right_logical3A_161 = arith.shrui %get3A_158, %shift_right_logical3A_160 : vector<16xi32>
      %and3A_162 = arith.constant 127 : i32
      %and3A_163 = vector.broadcast %and3A_162 : i32 to vector<16xi32>
      %and3A_164 = arith.andi %get3A_158, %and3A_163 : vector<16xi32>
      %get3A_165 = arith.constant 0 : i32
      %get3A_166 = arith.index_cast %get3A_165 : i32 to index
      %get3A_167 = arith.index_cast %scan3A_70 : i32 to index
      %get3A_168 = arith.constant 32 : index
      %get3A_169 = tpu.vector_load %arg7[%get3A_166, %get3A_167, %get3A_168] {strides = array<i32>} : memref<5x16x128xf32, #tpu.memory_space<vmem>>, vector<16xf32>,
      %broadcast_in_dim3A_170 = arith.constant 0 : i32
      %broadcast_in_dim3A_171 = vector.broadcast %broadcast_in_dim3A_170 : i32 to vector<16xi32>
      tpu.vector_store_idx %arg8[%broadcast_in_dim3A_171, %shift_right_logical3A_161, %and3A_164], %get3A_169 {add = true} : memref<5x8x128xf32, #tpu.memory_space<vmem>>[vector<16xi32>, vector<16xi32>, vector<16xi32>], vector<16xf32>,
      %get3A_172 = arith.constant 1 : i32
      %get3A_173 = arith.index_cast %get3A_172 : i32 to index
      %get3A_174 = arith.index_cast %scan3A_70 : i32 to index
      %get3A_175 = arith.constant 32 : index
      %get3A_176 = tpu.vector_load %arg7[%get3A_173, %get3A_174, %get3A_175] {strides = array<i32>} : memref<5x16x128xf32, #tpu.memory_space<vmem>>, vector<16xf32>,
      %broadcast_in_dim3A_177 = arith.constant 1 : i32
      %broadcast_in_dim3A_178 = vector.broadcast %broadcast_in_dim3A_177 : i32 to vector<16xi32>
      tpu.vector_store_idx %arg8[%broadcast_in_dim3A_178, %shift_right_logical3A_161, %and3A_164], %get3A_176 {add = true} : memref<5x8x128xf32, #tpu.memory_space<vmem>>[vector<16xi32>, vector<16xi32>, vector<16xi32>], vector<16xf32>,
      %get3A_179 = arith.constant 2 : i32
      %get3A_180 = arith.index_cast %get3A_179 : i32 to index
      %get3A_181 = arith.index_cast %scan3A_70 : i32 to index
      %get3A_182 = arith.constant 32 : index
      %get3A_183 = tpu.vector_load %arg7[%get3A_180, %get3A_181, %get3A_182] {strides = array<i32>} : memref<5x16x128xf32, #tpu.memory_space<vmem>>, vector<16xf32>,
      %broadcast_in_dim3A_184 = arith.constant 2 : i32
      %broadcast_in_dim3A_185 = vector.broadcast %broadcast_in_dim3A_184 : i32 to vector<16xi32>
      tpu.vector_store_idx %arg8[%broadcast_in_dim3A_185, %shift_right_logical3A_161, %and3A_164], %get3A_183 {add = true} : memref<5x8x128xf32, #tpu.memory_space<vmem>>[vector<16xi32>, vector<16xi32>, vector<16xi32>], vector<16xf32>,
      %get3A_186 = arith.constant 3 : i32
      %get3A_187 = arith.index_cast %get3A_186 : i32 to index
      %get3A_188 = arith.index_cast %scan3A_70 : i32 to index
      %get3A_189 = arith.constant 32 : index
      %get3A_190 = tpu.vector_load %arg7[%get3A_187, %get3A_188, %get3A_189] {strides = array<i32>} : memref<5x16x128xf32, #tpu.memory_space<vmem>>, vector<16xf32>,
      %broadcast_in_dim3A_191 = arith.constant 3 : i32
      %broadcast_in_dim3A_192 = vector.broadcast %broadcast_in_dim3A_191 : i32 to vector<16xi32>
      tpu.vector_store_idx %arg8[%broadcast_in_dim3A_192, %shift_right_logical3A_161, %and3A_164], %get3A_190 {add = true} : memref<5x8x128xf32, #tpu.memory_space<vmem>>[vector<16xi32>, vector<16xi32>, vector<16xi32>], vector<16xf32>,
      %get3A_193 = arith.constant 4 : i32
      %get3A_194 = arith.index_cast %get3A_193 : i32 to index
      %get3A_195 = arith.index_cast %scan3A_70 : i32 to index
      %get3A_196 = arith.constant 32 : index
      %get3A_197 = tpu.vector_load %arg7[%get3A_194, %get3A_195, %get3A_196] {strides = array<i32>} : memref<5x16x128xf32, #tpu.memory_space<vmem>>, vector<16xf32>,
      %broadcast_in_dim3A_198 = arith.constant 4 : i32
      %broadcast_in_dim3A_199 = vector.broadcast %broadcast_in_dim3A_198 : i32 to vector<16xi32>
      tpu.vector_store_idx %arg8[%broadcast_in_dim3A_199, %shift_right_logical3A_161, %and3A_164], %get3A_197 {add = true} : memref<5x8x128xf32, #tpu.memory_space<vmem>>[vector<16xi32>, vector<16xi32>, vector<16xi32>], vector<16xf32>,
      %get3A_200 = arith.index_cast %scan3A_70 : i32 to index
      %get3A_201 = arith.constant 48 : index
      %get3A_202 = tpu.vector_load %arg6[%get3A_200, %get3A_201] {strides = array<i32>} : memref<16x128xi32, #tpu.memory_space<vmem>>, vector<16xi32>,
      %shift_right_logical3A_203 = arith.constant 7 : i32
      %shift_right_logical3A_204 = vector.broadcast %shift_right_logical3A_203 : i32 to vector<16xi32>
      %shift_right_logical3A_205 = arith.shrui %get3A_202, %shift_right_logical3A_204 : vector<16xi32>
      %and3A_206 = arith.constant 127 : i32
      %and3A_207 = vector.broadcast %and3A_206 : i32 to vector<16xi32>
      %and3A_208 = arith.andi %get3A_202, %and3A_207 : vector<16xi32>
      %get3A_209 = arith.constant 0 : i32
      %get3A_210 = arith.index_cast %get3A_209 : i32 to index
      %get3A_211 = arith.index_cast %scan3A_70 : i32 to index
      %get3A_212 = arith.constant 48 : index
      %get3A_213 = tpu.vector_load %arg7[%get3A_210, %get3A_211, %get3A_212] {strides = array<i32>} : memref<5x16x128xf32, #tpu.memory_space<vmem>>, vector<16xf32>,
      %broadcast_in_dim3A_214 = arith.constant 0 : i32
      %broadcast_in_dim3A_215 = vector.broadcast %broadcast_in_dim3A_214 : i32 to vector<16xi32>
      tpu.vector_store_idx %arg8[%broadcast_in_dim3A_215, %shift_right_logical3A_205, %and3A_208], %get3A_213 {add = true} : memref<5x8x128xf32, #tpu.memory_space<vmem>>[vector<16xi32>, vector<16xi32>, vector<16xi32>], vector<16xf32>,
      %get3A_216 = arith.constant 1 : i32
      %get3A_217 = arith.index_cast %get3A_216 : i32 to index
      %get3A_218 = arith.index_cast %scan3A_70 : i32 to index
      %get3A_219 = arith.constant 48 : index
      %get3A_220 = tpu.vector_load %arg7[%get3A_217, %get3A_218, %get3A_219] {strides = array<i32>} : memref<5x16x128xf32, #tpu.memory_space<vmem>>, vector<16xf32>,
      %broadcast_in_dim3A_221 = arith.constant 1 : i32
      %broadcast_in_dim3A_222 = vector.broadcast %broadcast_in_dim3A_221 : i32 to vector<16xi32>
      tpu.vector_store_idx %arg8[%broadcast_in_dim3A_222, %shift_right_logical3A_205, %and3A_208], %get3A_220 {add = true} : memref<5x8x128xf32, #tpu.memory_space<vmem>>[vector<16xi32>, vector<16xi32>, vector<16xi32>], vector<16xf32>,
      %get3A_223 = arith.constant 2 : i32
      %get3A_224 = arith.index_cast %get3A_223 : i32 to index
      %get3A_225 = arith.index_cast %scan3A_70 : i32 to index
      %get3A_226 = arith.constant 48 : index
      %get3A_227 = tpu.vector_load %arg7[%get3A_224, %get3A_225, %get3A_226] {strides = array<i32>} : memref<5x16x128xf32, #tpu.memory_space<vmem>>, vector<16xf32>,
      %broadcast_in_dim3A_228 = arith.constant 2 : i32
      %broadcast_in_dim3A_229 = vector.broadcast %broadcast_in_dim3A_228 : i32 to vector<16xi32>
      tpu.vector_store_idx %arg8[%broadcast_in_dim3A_229, %shift_right_logical3A_205, %and3A_208], %get3A_227 {add = true} : memref<5x8x128xf32, #tpu.memory_space<vmem>>[vector<16xi32>, vector<16xi32>, vector<16xi32>], vector<16xf32>,
      %get3A_230 = arith.constant 3 : i32
      %get3A_231 = arith.index_cast %get3A_230 : i32 to index
      %get3A_232 = arith.index_cast %scan3A_70 : i32 to index
      %get3A_233 = arith.constant 48 : index
      %get3A_234 = tpu.vector_load %arg7[%get3A_231, %get3A_232, %get3A_233] {strides = array<i32>} : memref<5x16x128xf32, #tpu.memory_space<vmem>>, vector<16xf32>,
      %broadcast_in_dim3A_235 = arith.constant 3 : i32
      %broadcast_in_dim3A_236 = vector.broadcast %broadcast_in_dim3A_235 : i32 to vector<16xi32>
      tpu.vector_store_idx %arg8[%broadcast_in_dim3A_236, %shift_right_logical3A_205, %and3A_208], %get3A_234 {add = true} : memref<5x8x128xf32, #tpu.memory_space<vmem>>[vector<16xi32>, vector<16xi32>, vector<16xi32>], vector<16xf32>,
      %get3A_237 = arith.constant 4 : i32
      %get3A_238 = arith.index_cast %get3A_237 : i32 to index
      %get3A_239 = arith.index_cast %scan3A_70 : i32 to index
      %get3A_240 = arith.constant 48 : index
      %get3A_241 = tpu.vector_load %arg7[%get3A_238, %get3A_239, %get3A_240] {strides = array<i32>} : memref<5x16x128xf32, #tpu.memory_space<vmem>>, vector<16xf32>,
      %broadcast_in_dim3A_242 = arith.constant 4 : i32
      %broadcast_in_dim3A_243 = vector.broadcast %broadcast_in_dim3A_242 : i32 to vector<16xi32>
      tpu.vector_store_idx %arg8[%broadcast_in_dim3A_243, %shift_right_logical3A_205, %and3A_208], %get3A_241 {add = true} : memref<5x8x128xf32, #tpu.memory_space<vmem>>[vector<16xi32>, vector<16xi32>, vector<16xi32>], vector<16xf32>,
      %get3A_244 = arith.index_cast %scan3A_70 : i32 to index
      %get3A_245 = arith.constant 64 : index
      %get3A_246 = tpu.vector_load %arg6[%get3A_244, %get3A_245] {strides = array<i32>} : memref<16x128xi32, #tpu.memory_space<vmem>>, vector<16xi32>,
      %shift_right_logical3A_247 = arith.constant 7 : i32
      %shift_right_logical3A_248 = vector.broadcast %shift_right_logical3A_247 : i32 to vector<16xi32>
      %shift_right_logical3A_249 = arith.shrui %get3A_246, %shift_right_logical3A_248 : vector<16xi32>
      %and3A_250 = arith.constant 127 : i32
      %and3A_251 = vector.broadcast %and3A_250 : i32 to vector<16xi32>
      %and3A_252 = arith.andi %get3A_246, %and3A_251 : vector<16xi32>
      %get3A_253 = arith.constant 0 : i32
      %get3A_254 = arith.index_cast %get3A_253 : i32 to index
      %get3A_255 = arith.index_cast %scan3A_70 : i32 to index
      %get3A_256 = arith.constant 64 : index
      %get3A_257 = tpu.vector_load %arg7[%get3A_254, %get3A_255, %get3A_256] {strides = array<i32>} : memref<5x16x128xf32, #tpu.memory_space<vmem>>, vector<16xf32>,
      %broadcast_in_dim3A_258 = arith.constant 0 : i32
      %broadcast_in_dim3A_259 = vector.broadcast %broadcast_in_dim3A_258 : i32 to vector<16xi32>
      tpu.vector_store_idx %arg8[%broadcast_in_dim3A_259, %shift_right_logical3A_249, %and3A_252], %get3A_257 {add = true} : memref<5x8x128xf32, #tpu.memory_space<vmem>>[vector<16xi32>, vector<16xi32>, vector<16xi32>], vector<16xf32>,
      %get3A_260 = arith.constant 1 : i32
      %get3A_261 = arith.index_cast %get3A_260 : i32 to index
      %get3A_262 = arith.index_cast %scan3A_70 : i32 to index
      %get3A_263 = arith.constant 64 : index
      %get3A_264 = tpu.vector_load %arg7[%get3A_261, %get3A_262, %get3A_263] {strides = array<i32>} : memref<5x16x128xf32, #tpu.memory_space<vmem>>, vector<16xf32>,
      %broadcast_in_dim3A_265 = arith.constant 1 : i32
      %broadcast_in_dim3A_266 = vector.broadcast %broadcast_in_dim3A_265 : i32 to vector<16xi32>
      tpu.vector_store_idx %arg8[%broadcast_in_dim3A_266, %shift_right_logical3A_249, %and3A_252], %get3A_264 {add = true} : memref<5x8x128xf32, #tpu.memory_space<vmem>>[vector<16xi32>, vector<16xi32>, vector<16xi32>], vector<16xf32>,
      %get3A_267 = arith.constant 2 : i32
      %get3A_268 = arith.index_cast %get3A_267 : i32 to index
      %get3A_269 = arith.index_cast %scan3A_70 : i32 to index
      %get3A_270 = arith.constant 64 : index
      %get3A_271 = tpu.vector_load %arg7[%get3A_268, %get3A_269, %get3A_270] {strides = array<i32>} : memref<5x16x128xf32, #tpu.memory_space<vmem>>, vector<16xf32>,
      %broadcast_in_dim3A_272 = arith.constant 2 : i32
      %broadcast_in_dim3A_273 = vector.broadcast %broadcast_in_dim3A_272 : i32 to vector<16xi32>
      tpu.vector_store_idx %arg8[%broadcast_in_dim3A_273, %shift_right_logical3A_249, %and3A_252], %get3A_271 {add = true} : memref<5x8x128xf32, #tpu.memory_space<vmem>>[vector<16xi32>, vector<16xi32>, vector<16xi32>], vector<16xf32>,
      %get3A_274 = arith.constant 3 : i32
      %get3A_275 = arith.index_cast %get3A_274 : i32 to index
      %get3A_276 = arith.index_cast %scan3A_70 : i32 to index
      %get3A_277 = arith.constant 64 : index
      %get3A_278 = tpu.vector_load %arg7[%get3A_275, %get3A_276, %get3A_277] {strides = array<i32>} : memref<5x16x128xf32, #tpu.memory_space<vmem>>, vector<16xf32>,
      %broadcast_in_dim3A_279 = arith.constant 3 : i32
      %broadcast_in_dim3A_280 = vector.broadcast %broadcast_in_dim3A_279 : i32 to vector<16xi32>
      tpu.vector_store_idx %arg8[%broadcast_in_dim3A_280, %shift_right_logical3A_249, %and3A_252], %get3A_278 {add = true} : memref<5x8x128xf32, #tpu.memory_space<vmem>>[vector<16xi32>, vector<16xi32>, vector<16xi32>], vector<16xf32>,
      %get3A_281 = arith.constant 4 : i32
      %get3A_282 = arith.index_cast %get3A_281 : i32 to index
      %get3A_283 = arith.index_cast %scan3A_70 : i32 to index
      %get3A_284 = arith.constant 64 : index
      %get3A_285 = tpu.vector_load %arg7[%get3A_282, %get3A_283, %get3A_284] {strides = array<i32>} : memref<5x16x128xf32, #tpu.memory_space<vmem>>, vector<16xf32>,
      %broadcast_in_dim3A_286 = arith.constant 4 : i32
      %broadcast_in_dim3A_287 = vector.broadcast %broadcast_in_dim3A_286 : i32 to vector<16xi32>
      tpu.vector_store_idx %arg8[%broadcast_in_dim3A_287, %shift_right_logical3A_249, %and3A_252], %get3A_285 {add = true} : memref<5x8x128xf32, #tpu.memory_space<vmem>>[vector<16xi32>, vector<16xi32>, vector<16xi32>], vector<16xf32>,
      %get3A_288 = arith.index_cast %scan3A_70 : i32 to index
      %get3A_289 = arith.constant 80 : index
      %get3A_290 = tpu.vector_load %arg6[%get3A_288, %get3A_289] {strides = array<i32>} : memref<16x128xi32, #tpu.memory_space<vmem>>, vector<16xi32>,
      %shift_right_logical3A_291 = arith.constant 7 : i32
      %shift_right_logical3A_292 = vector.broadcast %shift_right_logical3A_291 : i32 to vector<16xi32>
      %shift_right_logical3A_293 = arith.shrui %get3A_290, %shift_right_logical3A_292 : vector<16xi32>
      %and3A_294 = arith.constant 127 : i32
      %and3A_295 = vector.broadcast %and3A_294 : i32 to vector<16xi32>
      %and3A_296 = arith.andi %get3A_290, %and3A_295 : vector<16xi32>
      %get3A_297 = arith.constant 0 : i32
      %get3A_298 = arith.index_cast %get3A_297 : i32 to index
      %get3A_299 = arith.index_cast %scan3A_70 : i32 to index
      %get3A_300 = arith.constant 80 : index
      %get3A_301 = tpu.vector_load %arg7[%get3A_298, %get3A_299, %get3A_300] {strides = array<i32>} : memref<5x16x128xf32, #tpu.memory_space<vmem>>, vector<16xf32>,
      %broadcast_in_dim3A_302 = arith.constant 0 : i32
      %broadcast_in_dim3A_303 = vector.broadcast %broadcast_in_dim3A_302 : i32 to vector<16xi32>
      tpu.vector_store_idx %arg8[%broadcast_in_dim3A_303, %shift_right_logical3A_293, %and3A_296], %get3A_301 {add = true} : memref<5x8x128xf32, #tpu.memory_space<vmem>>[vector<16xi32>, vector<16xi32>, vector<16xi32>], vector<16xf32>,
      %get3A_304 = arith.constant 1 : i32
      %get3A_305 = arith.index_cast %get3A_304 : i32 to index
      %get3A_306 = arith.index_cast %scan3A_70 : i32 to index
      %get3A_307 = arith.constant 80 : index
      %get3A_308 = tpu.vector_load %arg7[%get3A_305, %get3A_306, %get3A_307] {strides = array<i32>} : memref<5x16x128xf32, #tpu.memory_space<vmem>>, vector<16xf32>,
      %broadcast_in_dim3A_309 = arith.constant 1 : i32
      %broadcast_in_dim3A_310 = vector.broadcast %broadcast_in_dim3A_309 : i32 to vector<16xi32>
      tpu.vector_store_idx %arg8[%broadcast_in_dim3A_310, %shift_right_logical3A_293, %and3A_296], %get3A_308 {add = true} : memref<5x8x128xf32, #tpu.memory_space<vmem>>[vector<16xi32>, vector<16xi32>, vector<16xi32>], vector<16xf32>,
      %get3A_311 = arith.constant 2 : i32
      %get3A_312 = arith.index_cast %get3A_311 : i32 to index
      %get3A_313 = arith.index_cast %scan3A_70 : i32 to index
      %get3A_314 = arith.constant 80 : index
      %get3A_315 = tpu.vector_load %arg7[%get3A_312, %get3A_313, %get3A_314] {strides = array<i32>} : memref<5x16x128xf32, #tpu.memory_space<vmem>>, vector<16xf32>,
      %broadcast_in_dim3A_316 = arith.constant 2 : i32
      %broadcast_in_dim3A_317 = vector.broadcast %broadcast_in_dim3A_316 : i32 to vector<16xi32>
      tpu.vector_store_idx %arg8[%broadcast_in_dim3A_317, %shift_right_logical3A_293, %and3A_296], %get3A_315 {add = true} : memref<5x8x128xf32, #tpu.memory_space<vmem>>[vector<16xi32>, vector<16xi32>, vector<16xi32>], vector<16xf32>,
      %get3A_318 = arith.constant 3 : i32
      %get3A_319 = arith.index_cast %get3A_318 : i32 to index
      %get3A_320 = arith.index_cast %scan3A_70 : i32 to index
      %get3A_321 = arith.constant 80 : index
      %get3A_322 = tpu.vector_load %arg7[%get3A_319, %get3A_320, %get3A_321] {strides = array<i32>} : memref<5x16x128xf32, #tpu.memory_space<vmem>>, vector<16xf32>,
      %broadcast_in_dim3A_323 = arith.constant 3 : i32
      %broadcast_in_dim3A_324 = vector.broadcast %broadcast_in_dim3A_323 : i32 to vector<16xi32>
      tpu.vector_store_idx %arg8[%broadcast_in_dim3A_324, %shift_right_logical3A_293, %and3A_296], %get3A_322 {add = true} : memref<5x8x128xf32, #tpu.memory_space<vmem>>[vector<16xi32>, vector<16xi32>, vector<16xi32>], vector<16xf32>,
      %get3A_325 = arith.constant 4 : i32
      %get3A_326 = arith.index_cast %get3A_325 : i32 to index
      %get3A_327 = arith.index_cast %scan3A_70 : i32 to index
      %get3A_328 = arith.constant 80 : index
      %get3A_329 = tpu.vector_load %arg7[%get3A_326, %get3A_327, %get3A_328] {strides = array<i32>} : memref<5x16x128xf32, #tpu.memory_space<vmem>>, vector<16xf32>,
      %broadcast_in_dim3A_330 = arith.constant 4 : i32
      %broadcast_in_dim3A_331 = vector.broadcast %broadcast_in_dim3A_330 : i32 to vector<16xi32>
      tpu.vector_store_idx %arg8[%broadcast_in_dim3A_331, %shift_right_logical3A_293, %and3A_296], %get3A_329 {add = true} : memref<5x8x128xf32, #tpu.memory_space<vmem>>[vector<16xi32>, vector<16xi32>, vector<16xi32>], vector<16xf32>,
      %get3A_332 = arith.index_cast %scan3A_70 : i32 to index
      %get3A_333 = arith.constant 96 : index
      %get3A_334 = tpu.vector_load %arg6[%get3A_332, %get3A_333] {strides = array<i32>} : memref<16x128xi32, #tpu.memory_space<vmem>>, vector<16xi32>,
      %shift_right_logical3A_335 = arith.constant 7 : i32
      %shift_right_logical3A_336 = vector.broadcast %shift_right_logical3A_335 : i32 to vector<16xi32>
      %shift_right_logical3A_337 = arith.shrui %get3A_334, %shift_right_logical3A_336 : vector<16xi32>
      %and3A_338 = arith.constant 127 : i32
      %and3A_339 = vector.broadcast %and3A_338 : i32 to vector<16xi32>
      %and3A_340 = arith.andi %get3A_334, %and3A_339 : vector<16xi32>
      %get3A_341 = arith.constant 0 : i32
      %get3A_342 = arith.index_cast %get3A_341 : i32 to index
      %get3A_343 = arith.index_cast %scan3A_70 : i32 to index
      %get3A_344 = arith.constant 96 : index
      %get3A_345 = tpu.vector_load %arg7[%get3A_342, %get3A_343, %get3A_344] {strides = array<i32>} : memref<5x16x128xf32, #tpu.memory_space<vmem>>, vector<16xf32>,
      %broadcast_in_dim3A_346 = arith.constant 0 : i32
      %broadcast_in_dim3A_347 = vector.broadcast %broadcast_in_dim3A_346 : i32 to vector<16xi32>
      tpu.vector_store_idx %arg8[%broadcast_in_dim3A_347, %shift_right_logical3A_337, %and3A_340], %get3A_345 {add = true} : memref<5x8x128xf32, #tpu.memory_space<vmem>>[vector<16xi32>, vector<16xi32>, vector<16xi32>], vector<16xf32>,
      %get3A_348 = arith.constant 1 : i32
      %get3A_349 = arith.index_cast %get3A_348 : i32 to index
      %get3A_350 = arith.index_cast %scan3A_70 : i32 to index
      %get3A_351 = arith.constant 96 : index
      %get3A_352 = tpu.vector_load %arg7[%get3A_349, %get3A_350, %get3A_351] {strides = array<i32>} : memref<5x16x128xf32, #tpu.memory_space<vmem>>, vector<16xf32>,
      %broadcast_in_dim3A_353 = arith.constant 1 : i32
      %broadcast_in_dim3A_354 = vector.broadcast %broadcast_in_dim3A_353 : i32 to vector<16xi32>
      tpu.vector_store_idx %arg8[%broadcast_in_dim3A_354, %shift_right_logical3A_337, %and3A_340], %get3A_352 {add = true} : memref<5x8x128xf32, #tpu.memory_space<vmem>>[vector<16xi32>, vector<16xi32>, vector<16xi32>], vector<16xf32>,
      %get3A_355 = arith.constant 2 : i32
      %get3A_356 = arith.index_cast %get3A_355 : i32 to index
      %get3A_357 = arith.index_cast %scan3A_70 : i32 to index
      %get3A_358 = arith.constant 96 : index
      %get3A_359 = tpu.vector_load %arg7[%get3A_356, %get3A_357, %get3A_358] {strides = array<i32>} : memref<5x16x128xf32, #tpu.memory_space<vmem>>, vector<16xf32>,
      %broadcast_in_dim3A_360 = arith.constant 2 : i32
      %broadcast_in_dim3A_361 = vector.broadcast %broadcast_in_dim3A_360 : i32 to vector<16xi32>
      tpu.vector_store_idx %arg8[%broadcast_in_dim3A_361, %shift_right_logical3A_337, %and3A_340], %get3A_359 {add = true} : memref<5x8x128xf32, #tpu.memory_space<vmem>>[vector<16xi32>, vector<16xi32>, vector<16xi32>], vector<16xf32>,
      %get3A_362 = arith.constant 3 : i32
      %get3A_363 = arith.index_cast %get3A_362 : i32 to index
      %get3A_364 = arith.index_cast %scan3A_70 : i32 to index
      %get3A_365 = arith.constant 96 : index
      %get3A_366 = tpu.vector_load %arg7[%get3A_363, %get3A_364, %get3A_365] {strides = array<i32>} : memref<5x16x128xf32, #tpu.memory_space<vmem>>, vector<16xf32>,
      %broadcast_in_dim3A_367 = arith.constant 3 : i32
      %broadcast_in_dim3A_368 = vector.broadcast %broadcast_in_dim3A_367 : i32 to vector<16xi32>
      tpu.vector_store_idx %arg8[%broadcast_in_dim3A_368, %shift_right_logical3A_337, %and3A_340], %get3A_366 {add = true} : memref<5x8x128xf32, #tpu.memory_space<vmem>>[vector<16xi32>, vector<16xi32>, vector<16xi32>], vector<16xf32>,
      %get3A_369 = arith.constant 4 : i32
      %get3A_370 = arith.index_cast %get3A_369 : i32 to index
      %get3A_371 = arith.index_cast %scan3A_70 : i32 to index
      %get3A_372 = arith.constant 96 : index
      %get3A_373 = tpu.vector_load %arg7[%get3A_370, %get3A_371, %get3A_372] {strides = array<i32>} : memref<5x16x128xf32, #tpu.memory_space<vmem>>, vector<16xf32>,
      %broadcast_in_dim3A_374 = arith.constant 4 : i32
      %broadcast_in_dim3A_375 = vector.broadcast %broadcast_in_dim3A_374 : i32 to vector<16xi32>
      tpu.vector_store_idx %arg8[%broadcast_in_dim3A_375, %shift_right_logical3A_337, %and3A_340], %get3A_373 {add = true} : memref<5x8x128xf32, #tpu.memory_space<vmem>>[vector<16xi32>, vector<16xi32>, vector<16xi32>], vector<16xf32>,
      %get3A_376 = arith.index_cast %scan3A_70 : i32 to index
      %get3A_377 = arith.constant 112 : index
      %get3A_378 = tpu.vector_load %arg6[%get3A_376, %get3A_377] {strides = array<i32>} : memref<16x128xi32, #tpu.memory_space<vmem>>, vector<16xi32>,
      %shift_right_logical3A_379 = arith.constant 7 : i32
      %shift_right_logical3A_380 = vector.broadcast %shift_right_logical3A_379 : i32 to vector<16xi32>
      %shift_right_logical3A_381 = arith.shrui %get3A_378, %shift_right_logical3A_380 : vector<16xi32>
      %and3A_382 = arith.constant 127 : i32
      %and3A_383 = vector.broadcast %and3A_382 : i32 to vector<16xi32>
      %and3A_384 = arith.andi %get3A_378, %and3A_383 : vector<16xi32>
      %get3A_385 = arith.constant 0 : i32
      %get3A_386 = arith.index_cast %get3A_385 : i32 to index
      %get3A_387 = arith.index_cast %scan3A_70 : i32 to index
      %get3A_388 = arith.constant 112 : index
      %get3A_389 = tpu.vector_load %arg7[%get3A_386, %get3A_387, %get3A_388] {strides = array<i32>} : memref<5x16x128xf32, #tpu.memory_space<vmem>>, vector<16xf32>,
      %broadcast_in_dim3A_390 = arith.constant 0 : i32
      %broadcast_in_dim3A_391 = vector.broadcast %broadcast_in_dim3A_390 : i32 to vector<16xi32>
      tpu.vector_store_idx %arg8[%broadcast_in_dim3A_391, %shift_right_logical3A_381, %and3A_384], %get3A_389 {add = true} : memref<5x8x128xf32, #tpu.memory_space<vmem>>[vector<16xi32>, vector<16xi32>, vector<16xi32>], vector<16xf32>,
      %get3A_392 = arith.constant 1 : i32
      %get3A_393 = arith.index_cast %get3A_392 : i32 to index
      %get3A_394 = arith.index_cast %scan3A_70 : i32 to index
      %get3A_395 = arith.constant 112 : index
      %get3A_396 = tpu.vector_load %arg7[%get3A_393, %get3A_394, %get3A_395] {strides = array<i32>} : memref<5x16x128xf32, #tpu.memory_space<vmem>>, vector<16xf32>,
      %broadcast_in_dim3A_397 = arith.constant 1 : i32
      %broadcast_in_dim3A_398 = vector.broadcast %broadcast_in_dim3A_397 : i32 to vector<16xi32>
      tpu.vector_store_idx %arg8[%broadcast_in_dim3A_398, %shift_right_logical3A_381, %and3A_384], %get3A_396 {add = true} : memref<5x8x128xf32, #tpu.memory_space<vmem>>[vector<16xi32>, vector<16xi32>, vector<16xi32>], vector<16xf32>,
      %get3A_399 = arith.constant 2 : i32
      %get3A_400 = arith.index_cast %get3A_399 : i32 to index
      %get3A_401 = arith.index_cast %scan3A_70 : i32 to index
      %get3A_402 = arith.constant 112 : index
      %get3A_403 = tpu.vector_load %arg7[%get3A_400, %get3A_401, %get3A_402] {strides = array<i32>} : memref<5x16x128xf32, #tpu.memory_space<vmem>>, vector<16xf32>,
      %broadcast_in_dim3A_404 = arith.constant 2 : i32
      %broadcast_in_dim3A_405 = vector.broadcast %broadcast_in_dim3A_404 : i32 to vector<16xi32>
      tpu.vector_store_idx %arg8[%broadcast_in_dim3A_405, %shift_right_logical3A_381, %and3A_384], %get3A_403 {add = true} : memref<5x8x128xf32, #tpu.memory_space<vmem>>[vector<16xi32>, vector<16xi32>, vector<16xi32>], vector<16xf32>,
      %get3A_406 = arith.constant 3 : i32
      %get3A_407 = arith.index_cast %get3A_406 : i32 to index
      %get3A_408 = arith.index_cast %scan3A_70 : i32 to index
      %get3A_409 = arith.constant 112 : index
      %get3A_410 = tpu.vector_load %arg7[%get3A_407, %get3A_408, %get3A_409] {strides = array<i32>} : memref<5x16x128xf32, #tpu.memory_space<vmem>>, vector<16xf32>,
      %broadcast_in_dim3A_411 = arith.constant 3 : i32
      %broadcast_in_dim3A_412 = vector.broadcast %broadcast_in_dim3A_411 : i32 to vector<16xi32>
      tpu.vector_store_idx %arg8[%broadcast_in_dim3A_412, %shift_right_logical3A_381, %and3A_384], %get3A_410 {add = true} : memref<5x8x128xf32, #tpu.memory_space<vmem>>[vector<16xi32>, vector<16xi32>, vector<16xi32>], vector<16xf32>,
      %get3A_413 = arith.constant 4 : i32
      %get3A_414 = arith.index_cast %get3A_413 : i32 to index
      %get3A_415 = arith.index_cast %scan3A_70 : i32 to index
      %get3A_416 = arith.constant 112 : index
      %get3A_417 = tpu.vector_load %arg7[%get3A_414, %get3A_415, %get3A_416] {strides = array<i32>} : memref<5x16x128xf32, #tpu.memory_space<vmem>>, vector<16xf32>,
      %broadcast_in_dim3A_418 = arith.constant 4 : i32
      %broadcast_in_dim3A_419 = vector.broadcast %broadcast_in_dim3A_418 : i32 to vector<16xi32>
      tpu.vector_store_idx %arg8[%broadcast_in_dim3A_419, %shift_right_logical3A_381, %and3A_384], %get3A_417 {add = true} : memref<5x8x128xf32, #tpu.memory_space<vmem>>[vector<16xi32>, vector<16xi32>, vector<16xi32>], vector<16xf32>,
    }
    %scan3A_67 = arith.constant 16 : i32
    %mul3A_68 = arith.constant 5 : i32
    %mul3A_69 = arith.muli %select_n3A_30, %mul3A_68 : i32
    "tpu.region"() ({
      %run_scoped3A = tpu.sem_alloc : memref<!tpu.dma_semaphore, #tpu.memory_space<semaphore_mem>>
      %dma_start3A_70 = arith.constant 0 : i32
      %dma_start3A_71 = arith.constant 0 : i32
      %dma_start3A_72 = tpu.memref_slice %arg5[%select_n3A, %mul3A_69, %dma_start3A_70, %dma_start3A_71] : memref<16x10x8x128xf32, #tpu.memory_space<hbm>> -> memref<1x5x8x128xf32, #tpu.memory_space<hbm>>
      %dma_start3A_73 = tpu.memref_squeeze %dma_start3A_72 : memref<1x5x8x128xf32, #tpu.memory_space<hbm>> -> memref<5x8x128xf32, #tpu.memory_space<hbm>>
      %dma_start3A_74 = arith.constant 0 : i32
      %dma_start3A_75 = arith.constant 0 : i32
      %dma_start3A_76 = tpu.memref_slice %arg5[%select_n3A, %mul3A_69, %dma_start3A_74, %dma_start3A_75] : memref<16x10x8x128xf32, #tpu.memory_space<hbm>> -> memref<1x5x8x128xf32, #tpu.memory_space<hbm>>
      %dma_start3A_77 = tpu.memref_squeeze %dma_start3A_76 : memref<1x5x8x128xf32, #tpu.memory_space<hbm>> -> memref<5x8x128xf32, #tpu.memory_space<hbm>>
      tpu.enqueue_dma source(%arg8 : memref<5x8x128xf32, #tpu.memory_space<vmem>>) target(%dma_start3A_77 : memref<5x8x128xf32, #tpu.memory_space<hbm>>) target_semaphore(%run_scoped3A : memref<!tpu.dma_semaphore, #tpu.memory_space<semaphore_mem>>)
      %dma_wait3A_78 = arith.constant 0 : i32
      %dma_wait3A_79 = arith.constant 0 : i32
      %dma_wait3A_80 = tpu.memref_slice %arg5[%select_n3A, %mul3A_69, %dma_wait3A_78, %dma_wait3A_79] : memref<16x10x8x128xf32, #tpu.memory_space<hbm>> -> memref<1x5x8x128xf32, #tpu.memory_space<hbm>>
      %dma_wait3A_81 = tpu.memref_squeeze %dma_wait3A_80 : memref<1x5x8x128xf32, #tpu.memory_space<hbm>> -> memref<5x8x128xf32, #tpu.memory_space<hbm>>
      %dma_wait3A_82 = arith.constant 0 : i32
      %dma_wait3A_83 = arith.constant 0 : i32
      %dma_wait3A_84 = tpu.memref_slice %arg5[%select_n3A, %mul3A_69, %dma_wait3A_82, %dma_wait3A_83] : memref<16x10x8x128xf32, #tpu.memory_space<hbm>> -> memref<1x5x8x128xf32, #tpu.memory_space<hbm>>
      %dma_wait3A_85 = tpu.memref_squeeze %dma_wait3A_84 : memref<1x5x8x128xf32, #tpu.memory_space<hbm>> -> memref<5x8x128xf32, #tpu.memory_space<hbm>>
      tpu.wait_dma2 semaphore(%run_scoped3A : memref<!tpu.dma_semaphore, #tpu.memory_space<semaphore_mem>>) src(%arg8 : memref<5x8x128xf32, #tpu.memory_space<vmem>>) dst(%dma_wait3A_85 : memref<5x8x128xf32, #tpu.memory_space<hbm>>)
      tpu.yield
    }) : () -> ()
    return
  }
}

module attributes {stable_mosaic.version = 14 : i64} {
  func.func @_probs_body(%arg0: i32, %arg1: memref<1x2048x768xf32, #tpu.memory_space<vmem>>, %arg2: memref<768x9xf32, #tpu.memory_space<vmem>>, %arg3: memref<1x16x16x128xf32, #tpu.memory_space<vmem>>) attributes {dimension_semantics = [#tpu.dimension_semantics<arbitrary>], iteration_bounds = array<i64: 16>, scalar_prefetch = 0 : i64, scratch_operands = 0 : i64, tpu.core_type = #tpu.core_type<tc>, window_params = [{transform_indices = @transform_0, window_bounds = array<i64: 1, 2048, 768>}, {pipeline_mode = #tpu.pipeline_mode<synchronous>, transform_indices = @transform_1, window_bounds = array<i64: 768, 9>}, {transform_indices = @transform_2, window_bounds = array<i64: 1, 16, 16, 128>}]} {
    %get3A = arith.constant 0 : index
    %get3A_0 = arith.constant 0 : index
    %get3A_1 = arith.constant 0 : index
    %get3A_2 = vector.load %arg1[%get3A, %get3A_0, %get3A_1] : memref<1x2048x768xf32, #tpu.memory_space<vmem>>, vector<1x2048x768xf32>
    %get3A_3 = vector.shape_cast %get3A_2 : vector<1x2048x768xf32> to vector<2048x768xf32>
    %get3A_4 = arith.constant 0 : index
    %get3A_5 = arith.constant 0 : index
    %get3A_6 = vector.load %arg2[%get3A_4, %get3A_5] : memref<768x9xf32, #tpu.memory_space<vmem>>, vector<768x9xf32>
    %dot_general3A = arith.constant dense<0.000000e+00> : vector<9x2048xf32>
    %dot_general3A_7 = tpu.matmul %get3A_6, %get3A_3, %dot_general3A {dimension_numbers = #tpu.dot_dimension_numbers<[0], [1], [1], [0], [0, 1, 1, 0], [], []>, transpose_lhs_hint = false} : vector<768x9xf32>, vector<2048x768xf32>, vector<9x2048xf32> -> vector<9x2048xf32>
    %reduce_max3A = arith.constant dense<0xFF800000> : vector<2048xf32>
    %reduce_max3A_8 = vector.multi_reduction <maximumf>, %dot_general3A_7, %reduce_max3A [0] : vector<9x2048xf32> to vector<2048xf32>
    %broadcast_in_dim3A = vector.shape_cast %reduce_max3A_8 : vector<2048xf32> to vector<1x2048xf32>
    %sub3A = vector.broadcast %broadcast_in_dim3A : vector<1x2048xf32> to vector<9x2048xf32>
    %sub3A_9 = arith.subf %dot_general3A_7, %sub3A : vector<9x2048xf32>
    %exp3A = math.exp %sub3A_9 : vector<9x2048xf32>
    %reduce_sum3A = arith.constant dense<0.000000e+00> : vector<2048xf32>
    %reduce_sum3A_10 = vector.multi_reduction <add>, %exp3A, %reduce_sum3A [0] : vector<9x2048xf32> to vector<2048xf32>
    %broadcast_in_dim3A_11 = vector.shape_cast %reduce_sum3A_10 : vector<2048xf32> to vector<1x2048xf32>
    %div3A = vector.broadcast %broadcast_in_dim3A_11 : vector<1x2048xf32> to vector<9x2048xf32>
    %div3A_12 = arith.divf %exp3A, %div3A : vector<9x2048xf32>
    %reshape3A = vector.shape_cast %div3A_12 : vector<9x2048xf32> to vector<9x16x128xf32>
    %swap3A = arith.constant 0 : index
    %swap3A_13 = arith.constant 0 : index
    %swap3A_14 = arith.constant 0 : index
    %swap3A_15 = arith.constant 0 : index
    %swap3A_16 = vector.load %arg3[%swap3A, %swap3A_13, %swap3A_14, %swap3A_15] : memref<1x16x16x128xf32, #tpu.memory_space<vmem>>, vector<1x9x16x128xf32>
    %swap3A_17 = vector.shape_cast %swap3A_16 : vector<1x9x16x128xf32> to vector<9x16x128xf32>
    %swap3A_18 = vector.shape_cast %reshape3A : vector<9x16x128xf32> to vector<1x9x16x128xf32>
    tpu.vector_store %arg3[%swap3A, %swap3A_13, %swap3A_14, %swap3A_15], %swap3A_18 {strides = array<i32>} : memref<1x16x16x128xf32, #tpu.memory_space<vmem>>, vector<1x9x16x128xf32>,
    %broadcast_in_dim3A_19 = arith.constant 1.000000e+00 : f32
    %broadcast_in_dim3A_20 = vector.broadcast %broadcast_in_dim3A_19 : f32 to vector<1x16x128xf32>
    %swap3A_21 = arith.constant 0 : index
    %swap3A_22 = arith.constant 9 : index
    %swap3A_23 = arith.constant 0 : index
    %swap3A_24 = arith.constant 0 : index
    %swap3A_25 = vector.load %arg3[%swap3A_21, %swap3A_22, %swap3A_23, %swap3A_24] : memref<1x16x16x128xf32, #tpu.memory_space<vmem>>, vector<1x1x16x128xf32>
    %swap3A_26 = vector.shape_cast %swap3A_25 : vector<1x1x16x128xf32> to vector<1x16x128xf32>
    %swap3A_27 = vector.shape_cast %broadcast_in_dim3A_20 : vector<1x16x128xf32> to vector<1x1x16x128xf32>
    tpu.vector_store %arg3[%swap3A_21, %swap3A_22, %swap3A_23, %swap3A_24], %swap3A_27 {strides = array<i32>} : memref<1x16x16x128xf32, #tpu.memory_space<vmem>>, vector<1x1x16x128xf32>,
    return
  }
  func.func @transform_0(%arg0: i32) -> (i32, i32, i32) {
    %c0_i32 = arith.constant 0 : i32
    %c0_i32_0 = arith.constant 0 : i32
    %c0_i32_1 = arith.constant 0 : i32
    return %arg0, %c0_i32, %c0_i32_0 : i32, i32, i32
  }
  func.func @transform_1(%arg0: i32) -> (i32, i32) {
    %c0_i32 = arith.constant 0 : i32
    %c0_i32_0 = arith.constant 0 : i32
    %c0_i32_1 = arith.constant 0 : i32
    return %c0_i32, %c0_i32_0 : i32, i32
  }
  func.func @transform_2(%arg0: i32) -> (i32, i32, i32, i32) {
    %c0_i32 = arith.constant 0 : i32
    %c0_i32_0 = arith.constant 0 : i32
    %c0_i32_1 = arith.constant 0 : i32
    %c0_i32_2 = arith.constant 0 : i32
    return %arg0, %c0_i32, %c0_i32_0, %c0_i32_1 : i32, i32, i32, i32
  }
}

module attributes {stable_mosaic.version = 14 : i64} {
  func.func @_final_body(%arg0: memref<16x10x8x128xf32, #tpu.memory_space<vmem>>, %arg1: memref<16x8x128xi32, #tpu.memory_space<vmem>>, %arg2: memref<16x9x8x128xf32, #tpu.memory_space<vmem>>, %arg3: memref<1x1xf32, #tpu.memory_space<smem>>) attributes {dimension_semantics = [], scalar_prefetch = 0 : i64, scratch_operands = 0 : i64, tpu.core_type = #tpu.core_type<tc>} {
    %get3A = arith.constant 0 : index
    %get3A_0 = arith.constant 0 : index
    %get3A_1 = arith.constant 0 : index
    %get3A_2 = arith.constant 0 : index
    %get3A_3 = vector.load %arg0[%get3A, %get3A_0, %get3A_1, %get3A_2] : memref<16x10x8x128xf32, #tpu.memory_space<vmem>>, vector<16x10x8x128xf32>
    %iota3A = tpu.iota {dimensions = array<i32: 1>} : vector<16x10x8x128xi32>
    %slice3A = vector.extract_strided_slice %get3A_3 {offsets = [0, 9, 0, 0], sizes = [16, 1, 8, 128], strides = [1, 1, 1, 1]} : vector<16x10x8x128xf32> to vector<16x1x8x128xf32>
    %max3A = arith.constant 1.000000e+00 : f32
    %max3A_4 = vector.broadcast %max3A : f32 to vector<16x1x8x128xf32>
    %max3A_5 = arith.maximumf %slice3A, %max3A_4 : vector<16x1x8x128xf32>
    %div3A = vector.broadcast %max3A_5 : vector<16x1x8x128xf32> to vector<16x10x8x128xf32>
    %div3A_6 = arith.divf %get3A_3, %div3A : vector<16x10x8x128xf32>
    %slice3A_7 = vector.extract_strided_slice %div3A_6 {offsets = [0, 0, 0, 0], sizes = [16, 9, 8, 128], strides = [1, 1, 1, 1]} : vector<16x10x8x128xf32> to vector<16x9x8x128xf32>
    %swap3A = arith.constant 0 : index
    %swap3A_8 = arith.constant 0 : index
    %swap3A_9 = arith.constant 0 : index
    %swap3A_10 = arith.constant 0 : index
    %swap3A_11 = vector.load %arg2[%swap3A, %swap3A_8, %swap3A_9, %swap3A_10] : memref<16x9x8x128xf32, #tpu.memory_space<vmem>>, vector<16x9x8x128xf32>
    tpu.vector_store %arg2[%swap3A, %swap3A_8, %swap3A_9, %swap3A_10], %slice3A_7 {strides = array<i32>} : memref<16x9x8x128xf32, #tpu.memory_space<vmem>>, vector<16x9x8x128xf32>,
    %lt3A = arith.constant 9 : i32
    %lt3A_12 = vector.broadcast %lt3A : i32 to vector<16x10x8x128xi32>
    %lt3A_13 = arith.cmpi slt, %iota3A, %lt3A_12 : vector<16x10x8x128xi32>
    %exp3A = math.exp %div3A_6 : vector<16x10x8x128xf32>
    %jit3A = arith.constant 0.000000e+00 : f32
    %broadcast_in_dim3A = vector.broadcast %jit3A : f32 to vector<16x10x8x128xf32>
    %select_n3A = arith.select %lt3A_13, %exp3A, %broadcast_in_dim3A : vector<16x10x8x128xi1>, vector<16x10x8x128xf32>
    %reduce_sum3A = arith.constant dense<0.000000e+00> : vector<16x8x128xf32>
    %reduce_sum3A_14 = vector.multi_reduction <add>, %select_n3A, %reduce_sum3A [1] : vector<16x10x8x128xf32> to vector<16x8x128xf32>
    %log3A = math.log %reduce_sum3A_14 : vector<16x8x128xf32>
    %get3A_15 = arith.constant 0 : index
    %get3A_16 = arith.constant 0 : index
    %get3A_17 = arith.constant 0 : index
    %get3A_18 = vector.load %arg1[%get3A_15, %get3A_16, %get3A_17] : memref<16x8x128xi32, #tpu.memory_space<vmem>>, vector<16x8x128xi32>
    %broadcast_in_dim3A_19 = vector.shape_cast %get3A_18 : vector<16x8x128xi32> to vector<16x1x8x128xi32>
    %eq3A = vector.broadcast %broadcast_in_dim3A_19 : vector<16x1x8x128xi32> to vector<16x10x8x128xi32>
    %eq3A_20 = arith.cmpi eq, %iota3A, %eq3A : vector<16x10x8x128xi32>
    %jit3A_21 = arith.constant 0.000000e+00 : f32
    %broadcast_in_dim3A_22 = vector.broadcast %jit3A_21 : f32 to vector<16x10x8x128xf32>
    %select_n3A_23 = arith.select %eq3A_20, %div3A_6, %broadcast_in_dim3A_22 : vector<16x10x8x128xi1>, vector<16x10x8x128xf32>
    %reduce_sum3A_24 = arith.constant dense<0.000000e+00> : vector<16x8x128xf32>
    %reduce_sum3A_25 = vector.multi_reduction <add>, %select_n3A_23, %reduce_sum3A_24 [1] : vector<16x10x8x128xf32> to vector<16x8x128xf32>
    %sub3A = arith.subf %log3A, %reduce_sum3A_25 : vector<16x8x128xf32>
    %reduce_sum3A_26 = vector.shape_cast %sub3A : vector<16x8x128xf32> to vector<1x16x8x128xf32>
    %reduce_sum3A_27 = arith.constant dense<0.000000e+00> : vector<1xf32>
    %reduce_sum3A_28 = vector.multi_reduction <add>, %reduce_sum3A_26, %reduce_sum3A_27 [1, 2, 3] : vector<1x16x8x128xf32> to vector<1xf32>
    %reduce_sum3A_29 = vector.shape_cast %reduce_sum3A_28 : vector<1xf32> to vector<1x1x1x1xf32>
    %reduce_sum3A_30 = vector.extract %reduce_sum3A_29[0, 0, 0, 0] : f32 from vector<1x1x1x1xf32>
    %div3A_31 = arith.constant 1.638400e+04 : f32
    %div3A_32 = arith.divf %reduce_sum3A_30, %div3A_31 : f32
    %swap3A_33 = arith.constant 0 : index
    %swap3A_34 = arith.constant 0 : index
    %swap3A_35 = memref.load %arg3[%swap3A_33, %swap3A_34] : memref<1x1xf32, #tpu.memory_space<smem>>
    memref.store %div3A_32, %arg3[%swap3A_33, %swap3A_34] : memref<1x1xf32, #tpu.memory_space<smem>>
    return
  }
}

</mosaic_0001>

<sc_bundles>
// kernel: kernel.5.cloned.1.call-start
scs
__scs_entry_jumppad:
0x0: {  	(pc) =	sbr.rel $0x88, $3  }
0x1: {  	(tag) =	ssettag $0x0;
	lr =	simm.s32 $0x1  }
0x2: {  	[smem:$0x3F9D] =	sst lr;
	_ =	strace $0xD0000000  }
0x3: {  	_ = 	snop  }
0x4: {  	_ = 	snop  }
0x5: {  	_ = 	snop  }
0x6: {  	_ = 	snop  }
0x7: {  	_ = 	snop  }
__scs_overlays_trampoline_lowered:
0x8: {  	[smem:$0x3FAC] =	sst s0  }
0x9: {  	[smem:$0x3FAD] =	sst s1  }
0xa: {  	[smem:$0x3FAE] =	sst s2  }
0xb: {  	[smem:$0x3FAF] =	sst s3  }
0xc: {  	[smem:$0x3FB0] =	sst s4  }
0xd: {  	[smem:$0x3FB1] =	sst s5  }
0xe: {  	[smem:$0x3FB2] =	sst s6  }
0xf: {  	[smem:$0x3FB3] =	sst s7  }
0x10: {  	[smem:$0x3FB4] =	sst s8  }
0x11: {  	[smem:$0x3FB5] =	sst s9;
	s0 =	simm.s32 @!p0 $0x0  }
0x12: {  	s1 =	sld [smem:$0x3F9B];
	s0 =	simm.s32 @p0 $0x1  }
0x13: {  	[smem:$0x3FB6] =	sst s0;
	s0 =	simm.s32 @!p1 $0x0  }
0x14: {  	s2 =	sld [smem:$0x3F9A];
	s0 =	simm.s32 @p1 $0x1  }
0x15: {  	[smem:$0x3FB7] =	sst s0;
	s0 =	simm.s32 @!p2 $0x0  }
0x16: {  	s3 =	sld [smem:$0x3FDB];
	s0 =	simm.s32 @p2 $0x1  }
0x17: {  	s4 =	simm.s32 $0x1BF5;
	[smem:$0x3FB9] =	sst s0  }
0x18: {  	s0 =	sld [smem:$0x3F9C];
	_ =	swait.ge [sflag:s4], $0x0  }
0x19: {  	s7 =	sld [smem:$0x3F9D]  }
0x1a: {  	s8 =	sadd.s32 $0xFFFFE003, lr  }
0x1b: {  	s9 =	sadd.s32 $0xFFFFFEF7, lr;
	s5 =	simm.s32 $0xFFFFFFFF;
	p2 =	slt.u32 s8, $0xFFFFF086  }
0x1c: {  	p1 =	slt.u32 s9, $0xF7A;
	s5 =	simm.s32 @!p2 $0x0  }
0x1d: {  	s5 =	simm.s32 @p1 $0x1;
	p0 =	seq.s32 s7, s2  }
0x1e: {  	s7 =	smul.u32 @!p0 $0xF7A, s2;
	p2 =	seq.s32 @!p0 s5, $0x0  }
0x1f: {  	s9 =	smul.u32 $0xF7A, s1;
	s8 =	simm.s32 @!p0 $0x1BF5;
	p2 =	por !p2, p0  }
0x20: {  	[sflag:s8] =	ssyncset.s32 @!p0 $0xFFFFF086;
	s6 =	sadd.s32 @!p0 s3, s7;
	s7 =	simm.s32 @!p0 $0x108  }
0x21: {  	s3 =	sadd.s32 s3, s9;
	s6 =	sadd.s32 @!p0 $0x88, s6;
	s7 =	simm.s32 @p2 $0x1082  }
0x22: {  	[simem:s7], [sflag:s8] =	dma.local @!p0 [hbm:s6], $0xF7A  }
0x23: {  	s9 =	sor.u32 $0xD0000000, s2;
	s6 =	simm.s32 $0x108;
	_ =	swait.ge @!p0 [sflag:s8], $0x0  }
0x24: {  	s3 =	sadd.s32 $0x88, s3;
	s6 =	simm.s32 @!p1 $0x1082;
	[sflag:s4] =	ssyncset.s32 $0xFFFFF086  }
0x25: {  	[simem:s6], [sflag:s4] =	dma.local [hbm:s3], $0xF7A  }
0x26: {  	[smem:$0x3F9D] =	sst s1;
	(tag) =	ssettag s2;
	_ =	strace s9  }
0x27: {  	s1 =	sld [smem:$0x3FAD]  }
0x28: {  	s2 =	sld [smem:$0x3FAE]  }
0x29: {  	s4 =	sld [smem:$0x3FB0]  }
0x2a: {  	p0 =	seq.s32 s5, $0x0;
	s5 =	sld [smem:$0x3FB1]  }
0x2b: {  	s6 =	sld [smem:$0x3FB2]  }
0x2c: {  	s7 =	sld [smem:$0x3FB3]  }
0x2d: {  	s3 =	simm.s32 $0x108;
	s8 =	sld [smem:$0x3FB4]  }
0x2e: {  	s3 =	simm.s32 @!p0 $0x1082;
	s9 =	sld [smem:$0x3FB5]  }
0x2f: {  	lr =	sadd.s32 s0, s3;
	s0 =	sld [smem:$0x3FAC]  }
0x30: {  	s3 =	sld [smem:$0x3FAF]  }
0x31: {  	[smem:$0x3FB8] =	sst s10  }
0x32: {  	s10 =	sld [smem:$0x3FB6];
	_ =	sdelay $0x3  }
0x33: {  	p0 =	seq.s32 s10, $0x1;
	s10 =	sld [smem:$0x3FB8];
	_ =	sdelay $0x3  }
0x34: {  	[smem:$0x3FB8] =	sst s10  }
0x35: {  	s10 =	sld [smem:$0x3FB7];
	_ =	sdelay $0x3  }
0x36: {  	p1 =	seq.s32 s10, $0x1;
	s10 =	sld [smem:$0x3FB8];
	_ =	sdelay $0x3  }
0x37: {  	[smem:$0x3FB8] =	sst s10  }
0x38: {  	s10 =	sld [smem:$0x3FB9]  }
0x39: {  	_ = 	snop;
	(pc) =	sbr.ind lr, $3  }
0x3a: {  	_ = 	snop  }
0x3b: {  	_ = 	snop  }
0x3c: {  	p2 =	seq.s32 s10, $0x1;
	s10 =	sld [smem:$0x3FB8]  }
0x3d: {  	_ =	shalt  }
0x3e: {  	_ =	shalt  }
0x3f: {  	_ =	shalt  }
0x40: {  	_ =	shalt  }
0x41: {  	_ =	shalt  }
0x42: {  	_ =	shalt  }
0x43: {  	_ =	shalt  }
0x44: {  	_ =	shalt  }
0x45: {  	_ =	shalt  }
0x46: {  	_ =	shalt  }
0x47: {  	_ =	shalt  }
0x48: {  	_ =	shalt  }
0x49: {  	_ =	shalt  }
0x4a: {  	_ =	shalt  }
0x4b: {  	_ =	shalt  }
0x4c: {  	_ =	shalt  }
0x4d: {  	_ =	shalt  }
0x4e: {  	_ =	shalt  }
0x4f: {  	_ =	shalt  }
0x50: {  	_ =	shalt  }
0x51: {  	_ =	shalt  }
0x52: {  	_ =	shalt  }
0x53: {  	_ =	shalt  }
0x54: {  	_ =	shalt  }
0x55: {  	_ =	shalt  }
0x56: {  	_ =	shalt  }
0x57: {  	_ =	shalt  }
0x58: {  	_ =	shalt  }
0x59: {  	_ =	shalt  }
0x5a: {  	_ =	shalt  }
0x5b: {  	_ =	shalt  }
0x5c: {  	_ =	shalt  }
0x5d: {  	_ =	shalt  }
0x5e: {  	_ =	shalt  }
0x5f: {  	_ =	shalt  }
0x60: {  	_ =	shalt  }
0x61: {  	_ =	shalt  }
0x62: {  	_ =	shalt  }
0x63: {  	_ =	shalt  }
0x64: {  	_ =	shalt  }
0x65: {  	_ =	shalt  }
0x66: {  	_ =	shalt  }
0x67: {  	_ =	shalt  }
0x68: {  	_ =	shalt  }
0x69: {  	_ =	shalt  }
0x6a: {  	_ =	shalt  }
0x6b: {  	_ =	shalt  }
0x6c: {  	_ =	shalt  }
0x6d: {  	_ =	shalt  }
0x6e: {  	_ =	shalt  }
0x6f: {  	_ =	shalt  }
0x70: {  	_ =	shalt  }
0x71: {  	_ =	shalt  }
0x72: {  	_ =	shalt  }
0x73: {  	_ =	shalt  }
0x74: {  	_ =	shalt  }
0x75: {  	_ =	shalt  }
0x76: {  	_ =	shalt  }
0x77: {  	_ =	shalt  }
0x78: {  	_ =	shalt  }
0x79: {  	_ =	shalt  }
0x7a: {  	_ =	shalt  }
0x7b: {  	_ =	shalt  }
0x7c: {  	_ =	shalt  }
0x7d: {  	_ =	shalt  }
0x7e: {  	_ =	shalt  }
0x7f: {  	_ =	shalt  }
0x80: {  	_ =	shalt  }
0x81: {  	_ =	shalt  }
0x82: {  	_ =	shalt  }
0x83: {  	_ =	shalt  }
0x84: {  	_ =	shalt  }
0x85: {  	_ =	shalt  }
0x86: {  	_ =	shalt  }
0x87: {  	_ =	shalt  }
.Lfunc_end0:
.L_simem_size_0:
called_computation_lowered:
.L_overlay_start_0:
0x88: {  	s2 =	sld [smem:$0x3FD9]  }
0x89: {  	s3 =	sld [smem:$0x3FFE];
	_ =	sdelay $0x1  }
0x8a: {  	s1 =	srdreg.scid  }
0x8b: {  	s0 =	sand.u32 $0x1, s1  }
0x8c: {  	s14 =	sshll.u32 s0, $0xA;
	s2 =	sadd.s32 s3, s2  }
0x8d: {  	s2 =	sadd.s32 s2, s14  }
0x8e: {  	[smem:$0x3FC4] =	sst s2  }
0x8f: {  	_ = 	snop  }
0x90: {  	s2 =	sld [smem:$0x3FD0];
	_ =	sdelay $0x2  }
0x91: {  	s15 =	simm.s32 $0xA;
	s4 =	simm.s32 $0x10  }
0x92: {  	[smem:s4], [sflag:s15] =	dma.local [hbm:s2], $0x1  }
0x93: {  	_ =	swait.eq [sflag:s15], $0x1  }
0x94: {  	[sflag:s15] =	ssyncset.done $0x0  }
0x95: {  	[sflag:s15] =	ssyncadd.s32 $0xFFFFFFFF  }
0x96: {  	s16 =	sld [smem:$0x10];
	(tm) =	ssettm $0x1  }
0x97: {  	s17 =	sld [smem:$0x3FFB];
	_ =	sdelay $0x3  }
0x98: {  	_ =	strace s17  }
0x99: {  	s3 =	sld [smem:$0x3FFC];
	_ =	sdelay $0x3  }
0x9a: {  	_ =	strace s3  }
0x9b: {  	s3 =	sld [smem:$0x3FFD];
	_ =	sdelay $0x3  }
0x9c: {  	_ =	strace s3  }
0x9d: {  	_ =	strace $0x8FFFFFFF  }
0x9e: {  	s18 =	sld [smem:$0x3FDB];
	_ =	sdelay $0x1  }
0x9f: {  	s19 =	simm.s32 $_scs_section_size  }
0xa0: {  	s5 =	simm.s32 $_size__tile_overlayer_lowered;
	s6 =	simm.s32 $_tile_overlayer_lowered  }
0xa1: {  	s22 =	simm.s32 $0x1BFF;
	s21 =	sshll.u32 s6, $0x1;
	s3 =	sadd.s32 s19, s18  }
0xa2: {  	s7 =	simm.s32 $0x0;
	s20 =	sshll.u32 s5, $0x1;
	s5 =	sadd.s32 s21, s3  }
0xa3: {  	[timem:s7], [sflag:s22] =	dma.local [hbm:s5], s20  }
0xa4: {  	_ =	swait.ge [sflag:s22], s20  }
0xa5: {  	s4 =	ssub.s32 $0x0, s20;
	[sflag:s22] =	ssyncset.done $0x0  }
0xa6: {  	[sflag:s22] =	ssyncadd.s32 s4;
	_ =	sdelay $0x1  }
0xa7: {  	s23 =	simm.s32 $0x1B8B  }
0xa8: {  	_ =	swait.ge [sflag:s23], $0x1  }
0xa9: {  	[sflag:s23] =	ssyncset.done $0x0  }
0xaa: {  	s25 =	simm.s32 $0x1B8E;
	s24 =	sld [smem:$0x3FFE];
	[sflag:s23] =	ssyncadd.s32 $0xFFFFFFFF  }
0xab: {  	s26 =	simm.s32 $execute0_lowered;
	[smem:$0x3FD2] =	sst s25  }
0xac: {  	s5 =	sshll.u32 s26, $0x1;
	_ =	strace $0x80000046;
	[dreg:$0x1] =	wrdreg $0xFFFFFFFF  }
0xad: {  	s28 =	simm.s32 $_size_execute0_lowered;
	s3 =	sadd.s32 s3, s5;
	[dreg:$0x0] =	wrdreg $0x0  }
0xae: {  	s5 =	sshll.u32 s28, $0x1;
	[dreg:$0x2] =	wrdreg s3  }
0xaf: {  	[dreg:$0x3] =	wrdreg s5  }
0xb0: {  	[dreg:$0x4] =	wrdreg $0xC0  }
0xb1: {  	_ =	task [dreg:s7], $0x5FFFF  }
0xb2: {  	[dreg:$0x1] =	wrdreg $0xFFFFFFFF  }
0xb3: {  	[dreg:$0x0] =	wrdreg $0x60  }
0xb4: {  	[dreg:$0x2] =	wrdreg s24  }
0xb5: {  	[dreg:$0x3] =	wrdreg s16  }
0xb6: {  	[dreg:$0x4] =	wrdreg $0x9  }
0xb7: {  	_ =	task.clear_ibuf [dreg:s7], $0x5FFFF;
	_ =	strace $0x90000046  }
0xb8: {  	s29 =	simm.s32 $0x9;
	_ =	strace $0x80000048  }
0xb9: {  	_ =	swait.ge [sflag:s29], $0x1  }
0xba: {  	[sflag:s29] =	ssyncadd.s32 $0xFFFFFFFF  }
0xbb: {  	_ =	strace $0x90000048  }
0xbc: {  	_ =	sfence  }
0xbd: {  	s30 =	sld [smem:$0x0];
	_ =	sdelay $0x2  }
0xbe: {  	s31 =	sshll.u32 s1, $0xD;
	s1 =	sshrl.u32 s1, $0x2  }
0xbf: {  	s3 =	sand.u32 $0x4000, s31;
	s1 =	sadd.s32 s1, s30  }
0xc0: {  	s0 =	sor.u32 s3, s0;
	s1 =	sshll.u32 s1, $0x11  }
0xc1: {  	s0 =	sor.u32 s1, s0  }
0xc2: {  	s0 =	sadd.s32 $0x8F2B, s0  }
0xc3: {  	[sflag:s0] =	ssyncadd.remote.s32 $0x1  }
0xc4: {  	_ =	sfence.sel $0xFFFF  }
0xc5: {  	[dreg:$0x0] =	wrdreg $0xFFFFFFFF;
	(pc) =	sbr.abs _section_cstart, $3  }
0xc6: {  	[dreg:$0x1] =	wrdreg $0xFFFFFFFF  }
0xc7: {  	_ =	task.clear_ibuf [dreg:s7], $0x2FFFF;
	_ =	strace $0x9FFFFFFF  }
0xc8: {  	(tm) =	ssettm $0x7FFFFFFF  }
0xc9: {  	_ =	shalt  }
tec
execute0_lowered:
.L_overlay_start_1:
0x0: {  	(tag) =	ssettag $0x1  }
0x1: {  	s0 =	srdreg.scid;
	s6 =	rddreg [dreg:$0x0]  }
0x2: {  	s7 =	rddreg [dreg:$0x1];
	s3 =	simm.s32 $0x1;
	s5 =	sand.u32 $0x1, s0  }
0x3: {  	s8 =	simm.s32 $0x5;
	s0 =	stileid.u32;
	s1 =	sshll.u32 s5, $0x4  }
0x4: {  	s12 =	simm.s32 $0x0;
	s28 =	sand.u32 $0x1, s0;
	s2 =	sor.u32 s0, s1  }
0x5: {  	s5 =	ssub.s32 $0x2, s5;
	p1 =	seq.s32 s28, $0x1;
	p0 =	seq.s32 s2, $0x0  }
0x6: {  	s1 =	rddreg [dreg:$0x2];
	s30 =	sshrl.u32 s5, $0x1;
	p0 =	por !p0, !p1  }
0x7: {  	s4 =	sshrl.u32 s2, $0x1;
	s2 =	simm.s32 $0x0;
	p0 =	por !p0, !p0  }
0x8: {  	s8 =	simm.s32 @!p1 $0x0;
	s31 =	ssub.s32 s5, s30;
	s3 =	simm.s32 @!p0 $0x0  }
0x9: {  	[smem:$0x7FF] =	sst s2;
	s29 =	sshll.u32 s8, $0xB;
	s9 =	ssub.s32 s4, s3  }
0xa: {  	s8 =	sshll.u32 s8, $0xA;
	_ =	strace $0x80000047;
	s3 =	sshll.u32 s9, $0xF  }
0xb: {  	s10 =	smul.u32 $0x2800, s9;
	s9 =	sshll.u32 s9, $0x8;
	s4 =	sor.u32 s29, s3  }
0xc: {  	s3 =	simm.s32 $0x1;
	s9 =	sand.u32 $0x1FFFFF00, s9;
	s4 =	sshrl.u32 s4, $0x3  }
0xd: {  	s8 =	sadd.s32 s8, s10;
	s5 =	sadd.s32 s7, s9;
	s9 =	simm.s32 $0x800  }
0xe: {  	s10 =	simm.s32 $0x3000;
	s11 =	sadd.s32 s4, s6;
	s8 =	sshrl.u32 s8, $0x3  }
0xf: {  	s4 =	sadd.s32 $0x10C00, s6;
	s8 =	sadd.s32 s8, s6;
	s6 =	sadd.s32 $0xC00, s11  }
0x10: {  	s11 =	simm.s32 $0x2;
	s7 =	sadd.s32 $0x11000, s8;
	s8 =	smax.u32 s31, $0x1  }
.LBB2_1:
0x11: {  	[tilespmem:s2], [sflag:$0x1] =	stream.linear.gather [hbm4b:s5+s2], $0x800, $0x38;
	[tilespmem:$0x4400] =	vst v63  }
0x12: {  	_ = 	snop  }
0x13: {  	[tilespmem:s9], [sflag:$0x1] =	stream.linear.gather [hbm4b:s6+s2], $0x2800, $0x38;
	[tilespmem:$0x4400] =	vst v63  }
0x14: {  	_ = 	snop  }
0x15: {  	[tilespmem:s10], [sflag:$0x1] =	stream.linear.gather [hbm4b:s4+s2], $0x1400, $0x38;
	[tilespmem:$0x4400] =	vst v63  }
0x16: {  	_ =	swait.ge [sflag:s3], $0x800  }
0x17: {  	[sflag:s3] =	ssyncset.done $0x0  }
0x18: {  	[sflag:s3] =	ssyncadd.s32 $0xFFFFF800  }
0x19: {  	_ =	swait.ge [sflag:s3], $0x2800  }
0x1a: {  	[sflag:s3] =	ssyncset.done $0x0  }
0x1b: {  	[sflag:s3] =	ssyncadd.s32 $0xFFFFD800  }
0x1c: {  	_ =	swait.ge [sflag:s3], $0x1400  }
0x1d: {  	[sflag:s3] =	ssyncset.done $0x0  }
0x1e: {  	s13 =	simm.s32 $0x0;
	[sflag:s3] =	ssyncadd.s32 $0xFFFFEC00  }
.LBB2_2:
0x1f: {  	s14 =	sshra.s32 s13, $0x2  }
0x20: {  	v0 =	vld [tilespmem:s14+$0x0];
	_ =	sdelay $0x2  }
0x21: {  	v1 =	vld [tilespmem:s14+$0x800];
	_ =	sdelay $0x4  }
0x22: {  	[tilespmem:v0+s10+$0x0] =	vst.idx.add.f32.msk $0xffff, v1  }
0x23: {  	v2 =	vadd.s32 $0x400, v0;
	v1 =	vld [tilespmem:s14+$0x1000];
	_ =	sdelay $0x4  }
0x24: {  	[tilespmem:v2+s10+$0x0] =	vst.idx.add.f32.msk $0xffff, v1  }
0x25: {  	v41 =	vadd.s32 $0x800, v0;
	v1 =	vld [tilespmem:s14+$0x1800];
	_ =	sdelay $0x4  }
0x26: {  	[tilespmem:v41+s10+$0x0] =	vst.idx.add.f32.msk $0xffff, v1  }
0x27: {  	v42 =	vadd.s32 $0xC00, v0;
	v1 =	vld [tilespmem:s14+$0x2000];
	_ =	sdelay $0x4  }
0x28: {  	[tilespmem:v42+s10+$0x0] =	vst.idx.add.f32.msk $0xffff, v1  }
0x29: {  	v0 =	vadd.s32 $0x1000, v0;
	v1 =	vld [tilespmem:s14+$0x2800];
	_ =	sdelay $0x4  }
0x2a: {  	[tilespmem:v0+s10+$0x0] =	vst.idx.add.f32.msk $0xffff, v1  }
0x2b: {  	v0 =	vld [tilespmem:s14+$0x10];
	_ =	sdelay $0x2  }
0x2c: {  	v1 =	vld [tilespmem:s14+$0x810];
	_ =	sdelay $0x4  }
0x2d: {  	[tilespmem:v0+s10+$0x0] =	vst.idx.add.f32.msk $0xffff, v1  }
0x2e: {  	v43 =	vadd.s32 $0x400, v0;
	v1 =	vld [tilespmem:s14+$0x1010];
	_ =	sdelay $0x4  }
0x2f: {  	[tilespmem:v43+s10+$0x0] =	vst.idx.add.f32.msk $0xffff, v1  }
0x30: {  	v44 =	vadd.s32 $0x800, v0;
	v1 =	vld [tilespmem:s14+$0x1810];
	_ =	sdelay $0x4  }
0x31: {  	[tilespmem:v44+s10+$0x0] =	vst.idx.add.f32.msk $0xffff, v1  }
0x32: {  	v45 =	vadd.s32 $0xC00, v0;
	v1 =	vld [tilespmem:s14+$0x2010];
	_ =	sdelay $0x4  }
0x33: {  	[tilespmem:v45+s10+$0x0] =	vst.idx.add.f32.msk $0xffff, v1  }
0x34: {  	v0 =	vadd.s32 $0x1000, v0;
	v1 =	vld [tilespmem:s14+$0x2810];
	_ =	sdelay $0x4  }
0x35: {  	[tilespmem:v0+s10+$0x0] =	vst.idx.add.f32.msk $0xffff, v1  }
0x36: {  	v0 =	vld [tilespmem:s14+$0x20];
	_ =	sdelay $0x2  }
0x37: {  	v1 =	vld [tilespmem:s14+$0x820];
	_ =	sdelay $0x4  }
0x38: {  	[tilespmem:v0+s10+$0x0] =	vst.idx.add.f32.msk $0xffff, v1  }
0x39: {  	v46 =	vadd.s32 $0x400, v0;
	v1 =	vld [tilespmem:s14+$0x1020];
	_ =	sdelay $0x4  }
0x3a: {  	[tilespmem:v46+s10+$0x0] =	vst.idx.add.f32.msk $0xffff, v1  }
0x3b: {  	v47 =	vadd.s32 $0x800, v0;
	v1 =	vld [tilespmem:s14+$0x1820];
	_ =	sdelay $0x4  }
0x3c: {  	[tilespmem:v47+s10+$0x0] =	vst.idx.add.f32.msk $0xffff, v1  }
0x3d: {  	v48 =	vadd.s32 $0xC00, v0;
	v1 =	vld [tilespmem:s14+$0x2020];
	_ =	sdelay $0x4  }
0x3e: {  	[tilespmem:v48+s10+$0x0] =	vst.idx.add.f32.msk $0xffff, v1  }
0x3f: {  	v0 =	vadd.s32 $0x1000, v0;
	v1 =	vld [tilespmem:s14+$0x2820];
	_ =	sdelay $0x4  }
0x40: {  	[tilespmem:v0+s10+$0x0] =	vst.idx.add.f32.msk $0xffff, v1  }
0x41: {  	v0 =	vld [tilespmem:s14+$0x30];
	_ =	sdelay $0x2  }
0x42: {  	v1 =	vld [tilespmem:s14+$0x830];
	_ =	sdelay $0x4  }
0x43: {  	[tilespmem:v0+s10+$0x0] =	vst.idx.add.f32.msk $0xffff, v1  }
0x44: {  	v49 =	vadd.s32 $0x400, v0;
	v1 =	vld [tilespmem:s14+$0x1030];
	_ =	sdelay $0x4  }
0x45: {  	[tilespmem:v49+s10+$0x0] =	vst.idx.add.f32.msk $0xffff, v1  }
0x46: {  	v50 =	vadd.s32 $0x800, v0;
	v1 =	vld [tilespmem:s14+$0x1830];
	_ =	sdelay $0x4  }
0x47: {  	[tilespmem:v50+s10+$0x0] =	vst.idx.add.f32.msk $0xffff, v1  }
0x48: {  	v51 =	vadd.s32 $0xC00, v0;
	v1 =	vld [tilespmem:s14+$0x2030];
	_ =	sdelay $0x4  }
0x49: {  	[tilespmem:v51+s10+$0x0] =	vst.idx.add.f32.msk $0xffff, v1  }
0x4a: {  	v0 =	vadd.s32 $0x1000, v0;
	v1 =	vld [tilespmem:s14+$0x2830];
	_ =	sdelay $0x4  }
0x4b: {  	[tilespmem:v0+s10+$0x0] =	vst.idx.add.f32.msk $0xffff, v1  }
0x4c: {  	v0 =	vld [tilespmem:s14+$0x40];
	_ =	sdelay $0x2  }
0x4d: {  	v1 =	vld [tilespmem:s14+$0x840];
	_ =	sdelay $0x4  }
0x4e: {  	[tilespmem:v0+s10+$0x0] =	vst.idx.add.f32.msk $0xffff, v1  }
0x4f: {  	v52 =	vadd.s32 $0x400, v0;
	v1 =	vld [tilespmem:s14+$0x1040];
	_ =	sdelay $0x4  }
0x50: {  	[tilespmem:v52+s10+$0x0] =	vst.idx.add.f32.msk $0xffff, v1  }
0x51: {  	v53 =	vadd.s32 $0x800, v0;
	v1 =	vld [tilespmem:s14+$0x1840];
	_ =	sdelay $0x4  }
0x52: {  	[tilespmem:v53+s10+$0x0] =	vst.idx.add.f32.msk $0xffff, v1  }
0x53: {  	v54 =	vadd.s32 $0xC00, v0;
	v1 =	vld [tilespmem:s14+$0x2040];
	_ =	sdelay $0x4  }
0x54: {  	[tilespmem:v54+s10+$0x0] =	vst.idx.add.f32.msk $0xffff, v1  }
0x55: {  	v0 =	vadd.s32 $0x1000, v0;
	v1 =	vld [tilespmem:s14+$0x2840];
	_ =	sdelay $0x4  }
0x56: {  	[tilespmem:v0+s10+$0x0] =	vst.idx.add.f32.msk $0xffff, v1  }
0x57: {  	v0 =	vld [tilespmem:s14+$0x50];
	_ =	sdelay $0x2  }
0x58: {  	v1 =	vld [tilespmem:s14+$0x850];
	_ =	sdelay $0x4  }
0x59: {  	[tilespmem:v0+s10+$0x0] =	vst.idx.add.f32.msk $0xffff, v1  }
0x5a: {  	v55 =	vadd.s32 $0x400, v0;
	v1 =	vld [tilespmem:s14+$0x1050];
	_ =	sdelay $0x4  }
0x5b: {  	[tilespmem:v55+s10+$0x0] =	vst.idx.add.f32.msk $0xffff, v1  }
0x5c: {  	v56 =	vadd.s32 $0x800, v0;
	v1 =	vld [tilespmem:s14+$0x1850];
	_ =	sdelay $0x4  }
0x5d: {  	[tilespmem:v56+s10+$0x0] =	vst.idx.add.f32.msk $0xffff, v1  }
0x5e: {  	v57 =	vadd.s32 $0xC00, v0;
	v1 =	vld [tilespmem:s14+$0x2050];
	_ =	sdelay $0x4  }
0x5f: {  	[tilespmem:v57+s10+$0x0] =	vst.idx.add.f32.msk $0xffff, v1  }
0x60: {  	v0 =	vadd.s32 $0x1000, v0;
	v1 =	vld [tilespmem:s14+$0x2850];
	_ =	sdelay $0x4  }
0x61: {  	[tilespmem:v0+s10+$0x0] =	vst.idx.add.f32.msk $0xffff, v1  }
0x62: {  	v0 =	vld [tilespmem:s14+$0x60];
	_ =	sdelay $0x2  }
0x63: {  	v1 =	vld [tilespmem:s14+$0x860];
	_ =	sdelay $0x4  }
0x64: {  	[tilespmem:v0+s10+$0x0] =	vst.idx.add.f32.msk $0xffff, v1  }
0x65: {  	v58 =	vadd.s32 $0x400, v0;
	v1 =	vld [tilespmem:s14+$0x1060];
	_ =	sdelay $0x4  }
0x66: {  	[tilespmem:v58+s10+$0x0] =	vst.idx.add.f32.msk $0xffff, v1  }
0x67: {  	v59 =	vadd.s32 $0x800, v0;
	v1 =	vld [tilespmem:s14+$0x1860];
	_ =	sdelay $0x4  }
0x68: {  	[tilespmem:v59+s10+$0x0] =	vst.idx.add.f32.msk $0xffff, v1  }
0x69: {  	v60 =	vadd.s32 $0xC00, v0;
	v1 =	vld [tilespmem:s14+$0x2060];
	_ =	sdelay $0x4  }
0x6a: {  	[tilespmem:v60+s10+$0x0] =	vst.idx.add.f32.msk $0xffff, v1  }
0x6b: {  	v0 =	vadd.s32 $0x1000, v0;
	v1 =	vld [tilespmem:s14+$0x2860];
	_ =	sdelay $0x4  }
0x6c: {  	[tilespmem:v0+s10+$0x0] =	vst.idx.add.f32.msk $0xffff, v1  }
0x6d: {  	v0 =	vld [tilespmem:s14+$0x70];
	_ =	sdelay $0x2  }
0x6e: {  	v1 =	vld [tilespmem:s14+$0x870];
	_ =	sdelay $0x4  }
0x6f: {  	[tilespmem:v0+s10+$0x0] =	vst.idx.add.f32.msk $0xffff, v1  }
0x70: {  	v61 =	vadd.s32 $0x400, v0;
	v1 =	vld [tilespmem:s14+$0x1070];
	_ =	sdelay $0x4  }
0x71: {  	[tilespmem:v61+s10+$0x0] =	vst.idx.add.f32.msk $0xffff, v1  }
0x72: {  	v62 =	vadd.s32 $0x800, v0;
	v1 =	vld [tilespmem:s14+$0x1870];
	_ =	sdelay $0x4  }
0x73: {  	[tilespmem:v62+s10+$0x0] =	vst.idx.add.f32.msk $0xffff, v1  }
0x74: {  	v63 =	vadd.s32 $0xC00, v0;
	v1 =	vld [tilespmem:s14+$0x2070];
	_ =	sdelay $0x4  }
0x75: {  	[tilespmem:v63+s10+$0x0] =	vst.idx.add.f32.msk $0xffff, v1  }
0x76: {  	p0 =	sne.s32 s13, $0x1E00;
	v0 =	vadd.s32 $0x1000, v0;
	v1 =	vld [tilespmem:s14+$0x2870]  }
.Ltmp0:
0x77: {  	_ = 	snop;
	(pc) =	sbr.rel @p0 .LBB2_2-.Ltmp0, $2  }
0x78: {  	_ =	sdelay $0x2  }
0x79: {  	s13 =	sadd.s32 $0x200, s13;
	[tilespmem:v0+s10+$0x0] =	vst.idx.add.f32.msk $0xffff, v1  }
0x7a: {  	s12 =	sadd.s32 $0x1, s12  }
0x7b: {  	p0 =	sne.s32 s12, s8  }
.Ltmp1:
0x7c: {  	_ = 	snop;
	(pc) =	sbr.rel @p0 .LBB2_1-.Ltmp1, $4  }
0x7d: {  	[hbm4b:s7+s2] =	stream.linear.scatter [tilespmem:s10], [sflag:$0x2], $0x1400, $0x38;
	[tilespmem:$0x4400] =	vst v63  }
0x7e: {  	_ =	swait.ge [sflag:s11], $0x1400  }
0x7f: {  	[sflag:s11] =	ssyncset.done $0x0  }
0x80: {  	[sflag:s11] =	ssyncadd.s32 $0xFFFFEC00  }
0x81: {  	_ =	sfence.sel $0x180000  }
0x82: {  	[bflag:$0x0] =	sbarrier.arrive $0xFFFF  }
0x83: {  	p0 =	sne.s32 s0, $0x0;
	_ =	strace $0x90000047  }
0x84: {  	s0 =	sadd.s32 @!p0 $0x100000, s1;
	[bflag:$0x2] =	sbarrier.arrive $0xFFFF  }
0x85: {  	[sflag:s0] =	ssyncadd.tile.s32 @!p0 $0x1;
	_ =	shalt  }
.Lfunc_end2:
_tile_overlayer_lowered:
.L_overlay_start_2:
0x86: {  	(tag) =	ssettag $0x2  }
0x87: {  	s0 =	rddreg [dreg:$0x0];
	s2 =	stileid.u32  }
0x88: {  	s1 =	rddreg [dreg:$0x1];
	p0 =	sne.s32 s2, $0x0  }
0x89: {  	s3 =	rddreg [dreg:$0x2];
	[bflag:$0x3] =	sbarrier.arrive $0xFFFF;
	s2 =	simm.s32 @!p0 $0x1C02  }
0x8a: {  	[timem:s3], [sflag:s2] =	dma.local @!p0 [hbm:s0], s1  }
0x8b: {  	s0 =	simm.s32 @!p0 $0x2  }
0x8c: {  	_ =	swait.ge @!p0 [sflag:s0], s1  }
0x8d: {  	s1 =	ssub.s32 @!p0 $0x0, s1;
	[sflag:s0] =	ssyncset.done @!p0 $0x0  }
0x8e: {  	[sflag:s0] =	ssyncadd.s32 @!p0 s1  }
0x8f: {  	[bflag:$0x3] =	sbarrier.arrive $0xFFFF  }
0x90: {  	_ =	shalt  }

</sc_bundles>
